<compile_context>
chip_gen: v7x
topology: tpu7x:2x2x1
jax: 0.10.2.dev20260603
libtpu: 0.0.44.dev20260713+nightly
codegen_flags: <defaults>
</compile_context>

<pallas_src>
import functools

import jax
import jax.numpy as jnp
from jax import lax
from jax.experimental import pallas as pl
from jax.experimental.pallas import tpu as pltpu
from jax.experimental.pallas import tpu_sc as plsc

N_ATOMS = 2_000_000
NUM_SPECIES = 119
TABLE_PAD = 128

NC, NS, L = 2, 16, 16
NW = NC * NS

UNROLL = 8
BLK = UNROLL * L
CHUNK = 62_464
NCHUNK = 4
CSZ = CHUNK // NCHUNK
TAIL_OFF = NW * CHUNK
TAIL = N_ATOMS - TAIL_OFF
TAIL_TILES = TAIL // BLK


def _gather_sum_loop(idx_ref, tbl_ref, n_iters, accs):

    @plsc.parallel_loop(0, n_iters, step=1, unroll=1, carry=accs)
    def step(i, carry):
        base = i * BLK
        out = []
        for u in range(UNROLL):
            idx = idx_ref[pl.ds(base + u * L, L)]
            vals = plsc.load_gather(tbl_ref, [idx])
            out.append(carry[u] + vals)
        return tuple(out)

    return step


def _sc_partials(body):
    return pl.kernel(
        body,
        out_type=jax.ShapeDtypeStruct((NW, L), jnp.float32),
        mesh=plsc.VectorSubcoreMesh(core_axis_name="c", subcore_axis_name="s",
                                    num_cores=NC, num_subcores=NS),
        scratch_types=[
            pltpu.VMEM((CSZ,), jnp.int32),
            pltpu.VMEM((CSZ,), jnp.int32),
            pltpu.VMEM((TABLE_PAD,), jnp.float32),
            pltpu.VMEM((BLK,), jnp.int32),
            pltpu.VMEM((L,), jnp.float32),
            pltpu.SemaphoreType.DMA,
            pltpu.SemaphoreType.DMA,
        ],
        compiler_params=pltpu.CompilerParams(needs_layout_passes=False),
    )


@_sc_partials
def _lookup_sum_body(idx_hbm, tbl_hbm, out_hbm, buf0, buf1, tbl_v, tail_v,
                     acc_v, sem0, sem1):
    wid = lax.axis_index("s") * NC + lax.axis_index("c")
    base = wid * CHUNK
    bufs = (buf0, buf1)
    sems = (sem0, sem1)

    copies = [pltpu.async_copy(idx_hbm.at[pl.ds(base, CSZ)], buf0, sem0)]
    pltpu.sync_copy(tbl_hbm, tbl_v.at[pl.ds(0, NUM_SPECIES)])

    zeros = jnp.zeros((L,), jnp.float32)
    accs = (zeros,) * UNROLL
    for t in range(NCHUNK):
        if t + 1 < NCHUNK:
            copies.append(
                pltpu.async_copy(
                    idx_hbm.at[pl.ds(base + (t + 1) * CSZ, CSZ)],
                    bufs[(t + 1) % 2], sems[(t + 1) % 2]))
        copies[t].wait()
        accs = _gather_sum_loop(bufs[t % 2], tbl_v, CSZ // BLK, accs)
    total = accs[0]
    for a in accs[1:]:
        total = total + a
    acc_v[...] = total

    @pl.when(wid < TAIL_TILES)
    def _():
        pltpu.sync_copy(idx_hbm.at[pl.ds(TAIL_OFF + wid * BLK, BLK)], tail_v)
        a = acc_v[...]
        for u in range(UNROLL):
            idx = tail_v[pl.ds(u * L, L)]
            a = a + plsc.load_gather(tbl_v, [idx])
        acc_v[...] = a

    pltpu.sync_copy(acc_v, out_hbm.at[wid])


def kernel(atomic_numbers, atomic_energies, z_keys):
    del z_keys
    partials = _lookup_sum_body(atomic_numbers, atomic_energies)
    return jnp.sum(partials)

# --- scband reference (transcript-rebuilt; emitter-appended) ---
"""Pipeline reference for scband-atomic-energies-shift-1116691497765 (READ-ONLY COPY).

The authoritative reference and input builder live on the scoring server;
editing this copy changes nothing except your own understanding.
"""

import jax, jax.numpy as jnp
import numpy as np

NUM_SPECIES = 119
N_ATOMS = 2000000

def setup_inputs(seed: int = 0) -> dict:
    key = jax.random.key(seed)
    k1, k2 = jax.random.split(key)
    atomic_numbers = jax.random.randint(k1, (N_ATOMS,), 0, NUM_SPECIES, dtype=jnp.int64 if jax.config.jax_enable_x64 else jnp.int32).astype(jnp.int32)
    # Learned/buffer parameters sized per init_kwargs (num_species=119):
    atomic_energies = jax.random.normal(k2, (NUM_SPECIES,), dtype=jnp.float32)
    z_keys = jnp.arange(NUM_SPECIES, dtype=jnp.int32)
    return {"atomic_numbers": atomic_numbers, "atomic_energies": atomic_energies, "z_keys": z_keys}

def reference(atomic_numbers, atomic_energies, z_keys):
    # Faithful translation of AtomicEnergiesShift.forward:
    # loop over species, mask-compare atomic_numbers against each z key,
    # accumulate sum(atom_ene * mask) into a scalar shift.
    shift = jnp.array(0.0, dtype=atomic_energies.dtype)
    for i in range(z_keys.shape[0]):
        mask = (atomic_numbers == z_keys[i])
        shift = shift + jnp.sum(atomic_energies[i] * mask)
    return shift

if __name__ == "__main__":
    import jax
    _d = setup_inputs()
    print(jax.jit(kernel)(*tuple(_d.values())))

</pallas_src>

<mosaic_0001>
#map = affine_map<(d0, d1) -> (0)>
#map1 = affine_map<(d0, d1) -> (0, 0)>
module attributes {stable_mosaic.version = 14 : i64} {
  func.func @_lookup_sum_body(%arg0: i32, %arg1: i32, %arg2: memref<2000000xi32, #tpu.memory_space<hbm>>, %arg3: memref<119xf32, #tpu.memory_space<hbm>>, %arg4: memref<32x16xf32, #tpu.memory_space<hbm>>, %arg5: memref<15616xi32, #tpu.memory_space<vmem>>, %arg6: memref<15616xi32, #tpu.memory_space<vmem>>, %arg7: memref<128xf32, #tpu.memory_space<vmem>>, %arg8: memref<128xi32, #tpu.memory_space<vmem>>, %arg9: memref<16xf32, #tpu.memory_space<vmem>>, %arg10: memref<!tpu.dma_semaphore, #tpu.memory_space<semaphore_mem>>, %arg11: memref<!tpu.dma_semaphore, #tpu.memory_space<semaphore_mem>>) attributes {dimension_semantics = [#tpu.dimension_semantics<core_parallel>, #tpu.dimension_semantics<subcore_parallel>], iteration_bounds = array<i64: 2, 16>, scalar_prefetch = 0 : i64, scratch_operands = 7 : i64, tpu.core_type = #tpu.core_type<sc_vector_subcore>, window_params = [{transform_indices = #map}, {transform_indices = #map}, {transform_indices = #map1}]} {
    %mul3A = arith.constant 2 : i32
    %mul3A_0 = arith.muli %arg1, %mul3A : i32
    %add3A = arith.addi %mul3A_0, %arg0 : i32
    %mul3A_1 = arith.constant 62464 : i32
    %mul3A_2 = arith.muli %add3A, %mul3A_1 : i32
    %dma_start3A = tpu.memref_slice %arg2[%mul3A_2] : memref<2000000xi32, #tpu.memory_space<hbm>> -> memref<15616xi32, #tpu.memory_space<hbm>>
    %dma_start3A_3 = tpu.memref_slice %arg2[%mul3A_2] : memref<2000000xi32, #tpu.memory_space<hbm>> -> memref<15616xi32, #tpu.memory_space<hbm>>
    tpu.enqueue_dma source(%dma_start3A_3 : memref<15616xi32, #tpu.memory_space<hbm>>) target(%arg5 : memref<15616xi32, #tpu.memory_space<vmem>>) target_semaphore(%arg10 : memref<!tpu.dma_semaphore, #tpu.memory_space<semaphore_mem>>)
    "tpu.region"() ({
      %run_scoped3A = tpu.sem_alloc : memref<!tpu.dma_semaphore, #tpu.memory_space<semaphore_mem>>
      %dma_start3A_49 = arith.constant 0 : i32
      %dma_start3A_50 = tpu.memref_slice %arg7[%dma_start3A_49] : memref<128xf32, #tpu.memory_space<vmem>> -> memref<119xf32, #tpu.memory_space<vmem>>
      %dma_start3A_51 = arith.constant 0 : i32
      %dma_start3A_52 = tpu.memref_slice %arg7[%dma_start3A_51] : memref<128xf32, #tpu.memory_space<vmem>> -> memref<119xf32, #tpu.memory_space<vmem>>
      tpu.enqueue_dma source(%arg3 : memref<119xf32, #tpu.memory_space<hbm>>) target(%dma_start3A_52 : memref<119xf32, #tpu.memory_space<vmem>>) target_semaphore(%run_scoped3A : memref<!tpu.dma_semaphore, #tpu.memory_space<semaphore_mem>>)
      %dma_wait3A_53 = arith.constant 0 : i32
      %dma_wait3A_54 = tpu.memref_slice %arg7[%dma_wait3A_53] : memref<128xf32, #tpu.memory_space<vmem>> -> memref<119xf32, #tpu.memory_space<vmem>>
      %dma_wait3A_55 = arith.constant 0 : i32
      %dma_wait3A_56 = tpu.memref_slice %arg7[%dma_wait3A_55] : memref<128xf32, #tpu.memory_space<vmem>> -> memref<119xf32, #tpu.memory_space<vmem>>
      tpu.wait_dma2 semaphore(%run_scoped3A : memref<!tpu.dma_semaphore, #tpu.memory_space<semaphore_mem>>) src(%arg3 : memref<119xf32, #tpu.memory_space<hbm>>) dst(%dma_wait3A_56 : memref<119xf32, #tpu.memory_space<vmem>>)
      tpu.yield
    }) : () -> ()
    %broadcast_in_dim3A = arith.constant 0.000000e+00 : f32
    %broadcast_in_dim3A_4 = vector.broadcast %broadcast_in_dim3A : f32 to vector<16xf32>
    %add3A_5 = arith.constant 15616 : i32
    %add3A_6 = arith.addi %mul3A_2, %add3A_5 : i32
    %dma_start3A_7 = tpu.memref_slice %arg2[%add3A_6] : memref<2000000xi32, #tpu.memory_space<hbm>> -> memref<15616xi32, #tpu.memory_space<hbm>>
    %dma_start3A_8 = tpu.memref_slice %arg2[%add3A_6] : memref<2000000xi32, #tpu.memory_space<hbm>> -> memref<15616xi32, #tpu.memory_space<hbm>>
    tpu.enqueue_dma source(%dma_start3A_8 : memref<15616xi32, #tpu.memory_space<hbm>>) target(%arg6 : memref<15616xi32, #tpu.memory_space<vmem>>) target_semaphore(%arg11 : memref<!tpu.dma_semaphore, #tpu.memory_space<semaphore_mem>>)
    %dma_wait3A = tpu.memref_slice %arg2[%mul3A_2] : memref<2000000xi32, #tpu.memory_space<hbm>> -> memref<15616xi32, #tpu.memory_space<hbm>>
    %dma_wait3A_9 = tpu.memref_slice %arg2[%mul3A_2] : memref<2000000xi32, #tpu.memory_space<hbm>> -> memref<15616xi32, #tpu.memory_space<hbm>>
    tpu.wait_dma2 semaphore(%arg10 : memref<!tpu.dma_semaphore, #tpu.memory_space<semaphore_mem>>) src(%dma_wait3A_9 : memref<15616xi32, #tpu.memory_space<hbm>>) dst(%arg5 : memref<15616xi32, #tpu.memory_space<vmem>>)
    %parallel_loop3A = arith.constant 0 : i32
    %parallel_loop3A_10 = arith.constant 122 : i32
    %parallel_loop3A_11 = arith.constant 1 : i32
    %parallel_loop3A_12:8 = scf.for %parallel_loop3A_49 = %parallel_loop3A to %parallel_loop3A_10 step %parallel_loop3A_11 iter_args(%parallel_loop3A_50 = %broadcast_in_dim3A_4, %parallel_loop3A_51 = %broadcast_in_dim3A_4, %parallel_loop3A_52 = %broadcast_in_dim3A_4, %parallel_loop3A_53 = %broadcast_in_dim3A_4, %parallel_loop3A_54 = %broadcast_in_dim3A_4, %parallel_loop3A_55 = %broadcast_in_dim3A_4, %parallel_loop3A_56 = %broadcast_in_dim3A_4, %parallel_loop3A_57 = %broadcast_in_dim3A_4) -> (vector<16xf32>, vector<16xf32>, vector<16xf32>, vector<16xf32>, vector<16xf32>, vector<16xf32>, vector<16xf32>, vector<16xf32>)  : i32 {
      %parallel_loop3A_58 = arith.constant 128 : i32
      %parallel_loop3A_59 = arith.muli %parallel_loop3A_49, %parallel_loop3A_58 : i32
      %parallel_loop3A_60 = arith.constant 0 : i32
      %parallel_loop3A_61 = arith.addi %parallel_loop3A_59, %parallel_loop3A_60 : i32
      %parallel_loop3A_62 = arith.index_cast %parallel_loop3A_61 : i32 to index
      %parallel_loop3A_63 = tpu.vector_load %arg5[%parallel_loop3A_62] {strides = array<i32>} : memref<15616xi32, #tpu.memory_space<vmem>>, vector<16xi32>,
      %parallel_loop3A_64 = tpu.vector_load_idx %arg7[%parallel_loop3A_63] : memref<128xf32, #tpu.memory_space<vmem>>[vector<16xi32>], vector<16xf32>,
      %parallel_loop3A_65 = arith.addf %parallel_loop3A_50, %parallel_loop3A_64 : vector<16xf32>
      %parallel_loop3A_66 = arith.constant 16 : i32
      %parallel_loop3A_67 = arith.addi %parallel_loop3A_59, %parallel_loop3A_66 : i32
      %parallel_loop3A_68 = arith.index_cast %parallel_loop3A_67 : i32 to index
      %parallel_loop3A_69 = tpu.vector_load %arg5[%parallel_loop3A_68] {strides = array<i32>} : memref<15616xi32, #tpu.memory_space<vmem>>, vector<16xi32>,
      %parallel_loop3A_70 = tpu.vector_load_idx %arg7[%parallel_loop3A_69] : memref<128xf32, #tpu.memory_space<vmem>>[vector<16xi32>], vector<16xf32>,
      %parallel_loop3A_71 = arith.addf %parallel_loop3A_51, %parallel_loop3A_70 : vector<16xf32>
      %parallel_loop3A_72 = arith.constant 32 : i32
      %parallel_loop3A_73 = arith.addi %parallel_loop3A_59, %parallel_loop3A_72 : i32
      %parallel_loop3A_74 = arith.index_cast %parallel_loop3A_73 : i32 to index
      %parallel_loop3A_75 = tpu.vector_load %arg5[%parallel_loop3A_74] {strides = array<i32>} : memref<15616xi32, #tpu.memory_space<vmem>>, vector<16xi32>,
      %parallel_loop3A_76 = tpu.vector_load_idx %arg7[%parallel_loop3A_75] : memref<128xf32, #tpu.memory_space<vmem>>[vector<16xi32>], vector<16xf32>,
      %parallel_loop3A_77 = arith.addf %parallel_loop3A_52, %parallel_loop3A_76 : vector<16xf32>
      %parallel_loop3A_78 = arith.constant 48 : i32
      %parallel_loop3A_79 = arith.addi %parallel_loop3A_59, %parallel_loop3A_78 : i32
      %parallel_loop3A_80 = arith.index_cast %parallel_loop3A_79 : i32 to index
      %parallel_loop3A_81 = tpu.vector_load %arg5[%parallel_loop3A_80] {strides = array<i32>} : memref<15616xi32, #tpu.memory_space<vmem>>, vector<16xi32>,
      %parallel_loop3A_82 = tpu.vector_load_idx %arg7[%parallel_loop3A_81] : memref<128xf32, #tpu.memory_space<vmem>>[vector<16xi32>], vector<16xf32>,
      %parallel_loop3A_83 = arith.addf %parallel_loop3A_53, %parallel_loop3A_82 : vector<16xf32>
      %parallel_loop3A_84 = arith.constant 64 : i32
      %parallel_loop3A_85 = arith.addi %parallel_loop3A_59, %parallel_loop3A_84 : i32
      %parallel_loop3A_86 = arith.index_cast %parallel_loop3A_85 : i32 to index
      %parallel_loop3A_87 = tpu.vector_load %arg5[%parallel_loop3A_86] {strides = array<i32>} : memref<15616xi32, #tpu.memory_space<vmem>>, vector<16xi32>,
      %parallel_loop3A_88 = tpu.vector_load_idx %arg7[%parallel_loop3A_87] : memref<128xf32, #tpu.memory_space<vmem>>[vector<16xi32>], vector<16xf32>,
      %parallel_loop3A_89 = arith.addf %parallel_loop3A_54, %parallel_loop3A_88 : vector<16xf32>
      %parallel_loop3A_90 = arith.constant 80 : i32
      %parallel_loop3A_91 = arith.addi %parallel_loop3A_59, %parallel_loop3A_90 : i32
      %parallel_loop3A_92 = arith.index_cast %parallel_loop3A_91 : i32 to index
      %parallel_loop3A_93 = tpu.vector_load %arg5[%parallel_loop3A_92] {strides = array<i32>} : memref<15616xi32, #tpu.memory_space<vmem>>, vector<16xi32>,
      %parallel_loop3A_94 = tpu.vector_load_idx %arg7[%parallel_loop3A_93] : memref<128xf32, #tpu.memory_space<vmem>>[vector<16xi32>], vector<16xf32>,
      %parallel_loop3A_95 = arith.addf %parallel_loop3A_55, %parallel_loop3A_94 : vector<16xf32>
      %parallel_loop3A_96 = arith.constant 96 : i32
      %parallel_loop3A_97 = arith.addi %parallel_loop3A_59, %parallel_loop3A_96 : i32
      %parallel_loop3A_98 = arith.index_cast %parallel_loop3A_97 : i32 to index
      %parallel_loop3A_99 = tpu.vector_load %arg5[%parallel_loop3A_98] {strides = array<i32>} : memref<15616xi32, #tpu.memory_space<vmem>>, vector<16xi32>,
      %parallel_loop3A_100 = tpu.vector_load_idx %arg7[%parallel_loop3A_99] : memref<128xf32, #tpu.memory_space<vmem>>[vector<16xi32>], vector<16xf32>,
      %parallel_loop3A_101 = arith.addf %parallel_loop3A_56, %parallel_loop3A_100 : vector<16xf32>
      %parallel_loop3A_102 = arith.constant 112 : i32
      %parallel_loop3A_103 = arith.addi %parallel_loop3A_59, %parallel_loop3A_102 : i32
      %parallel_loop3A_104 = arith.index_cast %parallel_loop3A_103 : i32 to index
      %parallel_loop3A_105 = tpu.vector_load %arg5[%parallel_loop3A_104] {strides = array<i32>} : memref<15616xi32, #tpu.memory_space<vmem>>, vector<16xi32>,
      %parallel_loop3A_106 = tpu.vector_load_idx %arg7[%parallel_loop3A_105] : memref<128xf32, #tpu.memory_space<vmem>>[vector<16xi32>], vector<16xf32>,
      %parallel_loop3A_107 = arith.addf %parallel_loop3A_57, %parallel_loop3A_106 : vector<16xf32>
      scf.yield %parallel_loop3A_65, %parallel_loop3A_71, %parallel_loop3A_77, %parallel_loop3A_83, %parallel_loop3A_89, %parallel_loop3A_95, %parallel_loop3A_101, %parallel_loop3A_107 : vector<16xf32>, vector<16xf32>, vector<16xf32>, vector<16xf32>, vector<16xf32>, vector<16xf32>, vector<16xf32>, vector<16xf32>
    } {sc.loop_unroll_factor = 1 : i64, sc.parallel_access}
    %add3A_13 = arith.constant 31232 : i32
    %add3A_14 = arith.addi %mul3A_2, %add3A_13 : i32
    %dma_start3A_15 = tpu.memref_slice %arg2[%add3A_14] : memref<2000000xi32, #tpu.memory_space<hbm>> -> memref<15616xi32, #tpu.memory_space<hbm>>
    %dma_start3A_16 = tpu.memref_slice %arg2[%add3A_14] : memref<2000000xi32, #tpu.memory_space<hbm>> -> memref<15616xi32, #tpu.memory_space<hbm>>
    tpu.enqueue_dma source(%dma_start3A_16 : memref<15616xi32, #tpu.memory_space<hbm>>) target(%arg5 : memref<15616xi32, #tpu.memory_space<vmem>>) target_semaphore(%arg10 : memref<!tpu.dma_semaphore, #tpu.memory_space<semaphore_mem>>)
    %dma_wait3A_17 = tpu.memref_slice %arg2[%add3A_6] : memref<2000000xi32, #tpu.memory_space<hbm>> -> memref<15616xi32, #tpu.memory_space<hbm>>
    %dma_wait3A_18 = tpu.memref_slice %arg2[%add3A_6] : memref<2000000xi32, #tpu.memory_space<hbm>> -> memref<15616xi32, #tpu.memory_space<hbm>>
    tpu.wait_dma2 semaphore(%arg11 : memref<!tpu.dma_semaphore, #tpu.memory_space<semaphore_mem>>) src(%dma_wait3A_18 : memref<15616xi32, #tpu.memory_space<hbm>>) dst(%arg6 : memref<15616xi32, #tpu.memory_space<vmem>>)
    %parallel_loop3A_19 = arith.constant 0 : i32
    %parallel_loop3A_20 = arith.constant 122 : i32
    %parallel_loop3A_21 = arith.constant 1 : i32
    %parallel_loop3A_22:8 = scf.for %parallel_loop3A_49 = %parallel_loop3A_19 to %parallel_loop3A_20 step %parallel_loop3A_21 iter_args(%parallel_loop3A_50 = %parallel_loop3A_12#0, %parallel_loop3A_51 = %parallel_loop3A_12#1, %parallel_loop3A_52 = %parallel_loop3A_12#2, %parallel_loop3A_53 = %parallel_loop3A_12#3, %parallel_loop3A_54 = %parallel_loop3A_12#4, %parallel_loop3A_55 = %parallel_loop3A_12#5, %parallel_loop3A_56 = %parallel_loop3A_12#6, %parallel_loop3A_57 = %parallel_loop3A_12#7) -> (vector<16xf32>, vector<16xf32>, vector<16xf32>, vector<16xf32>, vector<16xf32>, vector<16xf32>, vector<16xf32>, vector<16xf32>)  : i32 {
      %parallel_loop3A_58 = arith.constant 128 : i32
      %parallel_loop3A_59 = arith.muli %parallel_loop3A_49, %parallel_loop3A_58 : i32
      %parallel_loop3A_60 = arith.constant 0 : i32
      %parallel_loop3A_61 = arith.addi %parallel_loop3A_59, %parallel_loop3A_60 : i32
      %parallel_loop3A_62 = arith.index_cast %parallel_loop3A_61 : i32 to index
      %parallel_loop3A_63 = tpu.vector_load %arg6[%parallel_loop3A_62] {strides = array<i32>} : memref<15616xi32, #tpu.memory_space<vmem>>, vector<16xi32>,
      %parallel_loop3A_64 = tpu.vector_load_idx %arg7[%parallel_loop3A_63] : memref<128xf32, #tpu.memory_space<vmem>>[vector<16xi32>], vector<16xf32>,
      %parallel_loop3A_65 = arith.addf %parallel_loop3A_50, %parallel_loop3A_64 : vector<16xf32>
      %parallel_loop3A_66 = arith.constant 16 : i32
      %parallel_loop3A_67 = arith.addi %parallel_loop3A_59, %parallel_loop3A_66 : i32
      %parallel_loop3A_68 = arith.index_cast %parallel_loop3A_67 : i32 to index
      %parallel_loop3A_69 = tpu.vector_load %arg6[%parallel_loop3A_68] {strides = array<i32>} : memref<15616xi32, #tpu.memory_space<vmem>>, vector<16xi32>,
      %parallel_loop3A_70 = tpu.vector_load_idx %arg7[%parallel_loop3A_69] : memref<128xf32, #tpu.memory_space<vmem>>[vector<16xi32>], vector<16xf32>,
      %parallel_loop3A_71 = arith.addf %parallel_loop3A_51, %parallel_loop3A_70 : vector<16xf32>
      %parallel_loop3A_72 = arith.constant 32 : i32
      %parallel_loop3A_73 = arith.addi %parallel_loop3A_59, %parallel_loop3A_72 : i32
      %parallel_loop3A_74 = arith.index_cast %parallel_loop3A_73 : i32 to index
      %parallel_loop3A_75 = tpu.vector_load %arg6[%parallel_loop3A_74] {strides = array<i32>} : memref<15616xi32, #tpu.memory_space<vmem>>, vector<16xi32>,
      %parallel_loop3A_76 = tpu.vector_load_idx %arg7[%parallel_loop3A_75] : memref<128xf32, #tpu.memory_space<vmem>>[vector<16xi32>], vector<16xf32>,
      %parallel_loop3A_77 = arith.addf %parallel_loop3A_52, %parallel_loop3A_76 : vector<16xf32>
      %parallel_loop3A_78 = arith.constant 48 : i32
      %parallel_loop3A_79 = arith.addi %parallel_loop3A_59, %parallel_loop3A_78 : i32
      %parallel_loop3A_80 = arith.index_cast %parallel_loop3A_79 : i32 to index
      %parallel_loop3A_81 = tpu.vector_load %arg6[%parallel_loop3A_80] {strides = array<i32>} : memref<15616xi32, #tpu.memory_space<vmem>>, vector<16xi32>,
      %parallel_loop3A_82 = tpu.vector_load_idx %arg7[%parallel_loop3A_81] : memref<128xf32, #tpu.memory_space<vmem>>[vector<16xi32>], vector<16xf32>,
      %parallel_loop3A_83 = arith.addf %parallel_loop3A_53, %parallel_loop3A_82 : vector<16xf32>
      %parallel_loop3A_84 = arith.constant 64 : i32
      %parallel_loop3A_85 = arith.addi %parallel_loop3A_59, %parallel_loop3A_84 : i32
      %parallel_loop3A_86 = arith.index_cast %parallel_loop3A_85 : i32 to index
      %parallel_loop3A_87 = tpu.vector_load %arg6[%parallel_loop3A_86] {strides = array<i32>} : memref<15616xi32, #tpu.memory_space<vmem>>, vector<16xi32>,
      %parallel_loop3A_88 = tpu.vector_load_idx %arg7[%parallel_loop3A_87] : memref<128xf32, #tpu.memory_space<vmem>>[vector<16xi32>], vector<16xf32>,
      %parallel_loop3A_89 = arith.addf %parallel_loop3A_54, %parallel_loop3A_88 : vector<16xf32>
      %parallel_loop3A_90 = arith.constant 80 : i32
      %parallel_loop3A_91 = arith.addi %parallel_loop3A_59, %parallel_loop3A_90 : i32
      %parallel_loop3A_92 = arith.index_cast %parallel_loop3A_91 : i32 to index
      %parallel_loop3A_93 = tpu.vector_load %arg6[%parallel_loop3A_92] {strides = array<i32>} : memref<15616xi32, #tpu.memory_space<vmem>>, vector<16xi32>,
      %parallel_loop3A_94 = tpu.vector_load_idx %arg7[%parallel_loop3A_93] : memref<128xf32, #tpu.memory_space<vmem>>[vector<16xi32>], vector<16xf32>,
      %parallel_loop3A_95 = arith.addf %parallel_loop3A_55, %parallel_loop3A_94 : vector<16xf32>
      %parallel_loop3A_96 = arith.constant 96 : i32
      %parallel_loop3A_97 = arith.addi %parallel_loop3A_59, %parallel_loop3A_96 : i32
      %parallel_loop3A_98 = arith.index_cast %parallel_loop3A_97 : i32 to index
      %parallel_loop3A_99 = tpu.vector_load %arg6[%parallel_loop3A_98] {strides = array<i32>} : memref<15616xi32, #tpu.memory_space<vmem>>, vector<16xi32>,
      %parallel_loop3A_100 = tpu.vector_load_idx %arg7[%parallel_loop3A_99] : memref<128xf32, #tpu.memory_space<vmem>>[vector<16xi32>], vector<16xf32>,
      %parallel_loop3A_101 = arith.addf %parallel_loop3A_56, %parallel_loop3A_100 : vector<16xf32>
      %parallel_loop3A_102 = arith.constant 112 : i32
      %parallel_loop3A_103 = arith.addi %parallel_loop3A_59, %parallel_loop3A_102 : i32
      %parallel_loop3A_104 = arith.index_cast %parallel_loop3A_103 : i32 to index
      %parallel_loop3A_105 = tpu.vector_load %arg6[%parallel_loop3A_104] {strides = array<i32>} : memref<15616xi32, #tpu.memory_space<vmem>>, vector<16xi32>,
      %parallel_loop3A_106 = tpu.vector_load_idx %arg7[%parallel_loop3A_105] : memref<128xf32, #tpu.memory_space<vmem>>[vector<16xi32>], vector<16xf32>,
      %parallel_loop3A_107 = arith.addf %parallel_loop3A_57, %parallel_loop3A_106 : vector<16xf32>
      scf.yield %parallel_loop3A_65, %parallel_loop3A_71, %parallel_loop3A_77, %parallel_loop3A_83, %parallel_loop3A_89, %parallel_loop3A_95, %parallel_loop3A_101, %parallel_loop3A_107 : vector<16xf32>, vector<16xf32>, vector<16xf32>, vector<16xf32>, vector<16xf32>, vector<16xf32>, vector<16xf32>, vector<16xf32>
    } {sc.loop_unroll_factor = 1 : i64, sc.parallel_access}
    %add3A_23 = arith.constant 46848 : i32
    %add3A_24 = arith.addi %mul3A_2, %add3A_23 : i32
    %dma_start3A_25 = tpu.memref_slice %arg2[%add3A_24] : memref<2000000xi32, #tpu.memory_space<hbm>> -> memref<15616xi32, #tpu.memory_space<hbm>>
    %dma_start3A_26 = tpu.memref_slice %arg2[%add3A_24] : memref<2000000xi32, #tpu.memory_space<hbm>> -> memref<15616xi32, #tpu.memory_space<hbm>>
    tpu.enqueue_dma source(%dma_start3A_26 : memref<15616xi32, #tpu.memory_space<hbm>>) target(%arg6 : memref<15616xi32, #tpu.memory_space<vmem>>) target_semaphore(%arg11 : memref<!tpu.dma_semaphore, #tpu.memory_space<semaphore_mem>>)
    %dma_wait3A_27 = tpu.memref_slice %arg2[%add3A_14] : memref<2000000xi32, #tpu.memory_space<hbm>> -> memref<15616xi32, #tpu.memory_space<hbm>>
    %dma_wait3A_28 = tpu.memref_slice %arg2[%add3A_14] : memref<2000000xi32, #tpu.memory_space<hbm>> -> memref<15616xi32, #tpu.memory_space<hbm>>
    tpu.wait_dma2 semaphore(%arg10 : memref<!tpu.dma_semaphore, #tpu.memory_space<semaphore_mem>>) src(%dma_wait3A_28 : memref<15616xi32, #tpu.memory_space<hbm>>) dst(%arg5 : memref<15616xi32, #tpu.memory_space<vmem>>)
    %parallel_loop3A_29 = arith.constant 0 : i32
    %parallel_loop3A_30 = arith.constant 122 : i32
    %parallel_loop3A_31 = arith.constant 1 : i32
    %parallel_loop3A_32:8 = scf.for %parallel_loop3A_49 = %parallel_loop3A_29 to %parallel_loop3A_30 step %parallel_loop3A_31 iter_args(%parallel_loop3A_50 = %parallel_loop3A_22#0, %parallel_loop3A_51 = %parallel_loop3A_22#1, %parallel_loop3A_52 = %parallel_loop3A_22#2, %parallel_loop3A_53 = %parallel_loop3A_22#3, %parallel_loop3A_54 = %parallel_loop3A_22#4, %parallel_loop3A_55 = %parallel_loop3A_22#5, %parallel_loop3A_56 = %parallel_loop3A_22#6, %parallel_loop3A_57 = %parallel_loop3A_22#7) -> (vector<16xf32>, vector<16xf32>, vector<16xf32>, vector<16xf32>, vector<16xf32>, vector<16xf32>, vector<16xf32>, vector<16xf32>)  : i32 {
      %parallel_loop3A_58 = arith.constant 128 : i32
      %parallel_loop3A_59 = arith.muli %parallel_loop3A_49, %parallel_loop3A_58 : i32
      %parallel_loop3A_60 = arith.constant 0 : i32
      %parallel_loop3A_61 = arith.addi %parallel_loop3A_59, %parallel_loop3A_60 : i32
      %parallel_loop3A_62 = arith.index_cast %parallel_loop3A_61 : i32 to index
      %parallel_loop3A_63 = tpu.vector_load %arg5[%parallel_loop3A_62] {strides = array<i32>} : memref<15616xi32, #tpu.memory_space<vmem>>, vector<16xi32>,
      %parallel_loop3A_64 = tpu.vector_load_idx %arg7[%parallel_loop3A_63] : memref<128xf32, #tpu.memory_space<vmem>>[vector<16xi32>], vector<16xf32>,
      %parallel_loop3A_65 = arith.addf %parallel_loop3A_50, %parallel_loop3A_64 : vector<16xf32>
      %parallel_loop3A_66 = arith.constant 16 : i32
      %parallel_loop3A_67 = arith.addi %parallel_loop3A_59, %parallel_loop3A_66 : i32
      %parallel_loop3A_68 = arith.index_cast %parallel_loop3A_67 : i32 to index
      %parallel_loop3A_69 = tpu.vector_load %arg5[%parallel_loop3A_68] {strides = array<i32>} : memref<15616xi32, #tpu.memory_space<vmem>>, vector<16xi32>,
      %parallel_loop3A_70 = tpu.vector_load_idx %arg7[%parallel_loop3A_69] : memref<128xf32, #tpu.memory_space<vmem>>[vector<16xi32>], vector<16xf32>,
      %parallel_loop3A_71 = arith.addf %parallel_loop3A_51, %parallel_loop3A_70 : vector<16xf32>
      %parallel_loop3A_72 = arith.constant 32 : i32
      %parallel_loop3A_73 = arith.addi %parallel_loop3A_59, %parallel_loop3A_72 : i32
      %parallel_loop3A_74 = arith.index_cast %parallel_loop3A_73 : i32 to index
      %parallel_loop3A_75 = tpu.vector_load %arg5[%parallel_loop3A_74] {strides = array<i32>} : memref<15616xi32, #tpu.memory_space<vmem>>, vector<16xi32>,
      %parallel_loop3A_76 = tpu.vector_load_idx %arg7[%parallel_loop3A_75] : memref<128xf32, #tpu.memory_space<vmem>>[vector<16xi32>], vector<16xf32>,
      %parallel_loop3A_77 = arith.addf %parallel_loop3A_52, %parallel_loop3A_76 : vector<16xf32>
      %parallel_loop3A_78 = arith.constant 48 : i32
      %parallel_loop3A_79 = arith.addi %parallel_loop3A_59, %parallel_loop3A_78 : i32
      %parallel_loop3A_80 = arith.index_cast %parallel_loop3A_79 : i32 to index
      %parallel_loop3A_81 = tpu.vector_load %arg5[%parallel_loop3A_80] {strides = array<i32>} : memref<15616xi32, #tpu.memory_space<vmem>>, vector<16xi32>,
      %parallel_loop3A_82 = tpu.vector_load_idx %arg7[%parallel_loop3A_81] : memref<128xf32, #tpu.memory_space<vmem>>[vector<16xi32>], vector<16xf32>,
      %parallel_loop3A_83 = arith.addf %parallel_loop3A_53, %parallel_loop3A_82 : vector<16xf32>
      %parallel_loop3A_84 = arith.constant 64 : i32
      %parallel_loop3A_85 = arith.addi %parallel_loop3A_59, %parallel_loop3A_84 : i32
      %parallel_loop3A_86 = arith.index_cast %parallel_loop3A_85 : i32 to index
      %parallel_loop3A_87 = tpu.vector_load %arg5[%parallel_loop3A_86] {strides = array<i32>} : memref<15616xi32, #tpu.memory_space<vmem>>, vector<16xi32>,
      %parallel_loop3A_88 = tpu.vector_load_idx %arg7[%parallel_loop3A_87] : memref<128xf32, #tpu.memory_space<vmem>>[vector<16xi32>], vector<16xf32>,
      %parallel_loop3A_89 = arith.addf %parallel_loop3A_54, %parallel_loop3A_88 : vector<16xf32>
      %parallel_loop3A_90 = arith.constant 80 : i32
      %parallel_loop3A_91 = arith.addi %parallel_loop3A_59, %parallel_loop3A_90 : i32
      %parallel_loop3A_92 = arith.index_cast %parallel_loop3A_91 : i32 to index
      %parallel_loop3A_93 = tpu.vector_load %arg5[%parallel_loop3A_92] {strides = array<i32>} : memref<15616xi32, #tpu.memory_space<vmem>>, vector<16xi32>,
      %parallel_loop3A_94 = tpu.vector_load_idx %arg7[%parallel_loop3A_93] : memref<128xf32, #tpu.memory_space<vmem>>[vector<16xi32>], vector<16xf32>,
      %parallel_loop3A_95 = arith.addf %parallel_loop3A_55, %parallel_loop3A_94 : vector<16xf32>
      %parallel_loop3A_96 = arith.constant 96 : i32
      %parallel_loop3A_97 = arith.addi %parallel_loop3A_59, %parallel_loop3A_96 : i32
      %parallel_loop3A_98 = arith.index_cast %parallel_loop3A_97 : i32 to index
      %parallel_loop3A_99 = tpu.vector_load %arg5[%parallel_loop3A_98] {strides = array<i32>} : memref<15616xi32, #tpu.memory_space<vmem>>, vector<16xi32>,
      %parallel_loop3A_100 = tpu.vector_load_idx %arg7[%parallel_loop3A_99] : memref<128xf32, #tpu.memory_space<vmem>>[vector<16xi32>], vector<16xf32>,
      %parallel_loop3A_101 = arith.addf %parallel_loop3A_56, %parallel_loop3A_100 : vector<16xf32>
      %parallel_loop3A_102 = arith.constant 112 : i32
      %parallel_loop3A_103 = arith.addi %parallel_loop3A_59, %parallel_loop3A_102 : i32
      %parallel_loop3A_104 = arith.index_cast %parallel_loop3A_103 : i32 to index
      %parallel_loop3A_105 = tpu.vector_load %arg5[%parallel_loop3A_104] {strides = array<i32>} : memref<15616xi32, #tpu.memory_space<vmem>>, vector<16xi32>,
      %parallel_loop3A_106 = tpu.vector_load_idx %arg7[%parallel_loop3A_105] : memref<128xf32, #tpu.memory_space<vmem>>[vector<16xi32>], vector<16xf32>,
      %parallel_loop3A_107 = arith.addf %parallel_loop3A_57, %parallel_loop3A_106 : vector<16xf32>
      scf.yield %parallel_loop3A_65, %parallel_loop3A_71, %parallel_loop3A_77, %parallel_loop3A_83, %parallel_loop3A_89, %parallel_loop3A_95, %parallel_loop3A_101, %parallel_loop3A_107 : vector<16xf32>, vector<16xf32>, vector<16xf32>, vector<16xf32>, vector<16xf32>, vector<16xf32>, vector<16xf32>, vector<16xf32>
    } {sc.loop_unroll_factor = 1 : i64, sc.parallel_access}
    %dma_wait3A_33 = tpu.memref_slice %arg2[%add3A_24] : memref<2000000xi32, #tpu.memory_space<hbm>> -> memref<15616xi32, #tpu.memory_space<hbm>>
    %dma_wait3A_34 = tpu.memref_slice %arg2[%add3A_24] : memref<2000000xi32, #tpu.memory_space<hbm>> -> memref<15616xi32, #tpu.memory_space<hbm>>
    tpu.wait_dma2 semaphore(%arg11 : memref<!tpu.dma_semaphore, #tpu.memory_space<semaphore_mem>>) src(%dma_wait3A_34 : memref<15616xi32, #tpu.memory_space<hbm>>) dst(%arg6 : memref<15616xi32, #tpu.memory_space<vmem>>)
    %parallel_loop3A_35 = arith.constant 0 : i32
    %parallel_loop3A_36 = arith.constant 122 : i32
    %parallel_loop3A_37 = arith.constant 1 : i32
    %parallel_loop3A_38:8 = scf.for %parallel_loop3A_49 = %parallel_loop3A_35 to %parallel_loop3A_36 step %parallel_loop3A_37 iter_args(%parallel_loop3A_50 = %parallel_loop3A_32#0, %parallel_loop3A_51 = %parallel_loop3A_32#1, %parallel_loop3A_52 = %parallel_loop3A_32#2, %parallel_loop3A_53 = %parallel_loop3A_32#3, %parallel_loop3A_54 = %parallel_loop3A_32#4, %parallel_loop3A_55 = %parallel_loop3A_32#5, %parallel_loop3A_56 = %parallel_loop3A_32#6, %parallel_loop3A_57 = %parallel_loop3A_32#7) -> (vector<16xf32>, vector<16xf32>, vector<16xf32>, vector<16xf32>, vector<16xf32>, vector<16xf32>, vector<16xf32>, vector<16xf32>)  : i32 {
      %parallel_loop3A_58 = arith.constant 128 : i32
      %parallel_loop3A_59 = arith.muli %parallel_loop3A_49, %parallel_loop3A_58 : i32
      %parallel_loop3A_60 = arith.constant 0 : i32
      %parallel_loop3A_61 = arith.addi %parallel_loop3A_59, %parallel_loop3A_60 : i32
      %parallel_loop3A_62 = arith.index_cast %parallel_loop3A_61 : i32 to index
      %parallel_loop3A_63 = tpu.vector_load %arg6[%parallel_loop3A_62] {strides = array<i32>} : memref<15616xi32, #tpu.memory_space<vmem>>, vector<16xi32>,
      %parallel_loop3A_64 = tpu.vector_load_idx %arg7[%parallel_loop3A_63] : memref<128xf32, #tpu.memory_space<vmem>>[vector<16xi32>], vector<16xf32>,
      %parallel_loop3A_65 = arith.addf %parallel_loop3A_50, %parallel_loop3A_64 : vector<16xf32>
      %parallel_loop3A_66 = arith.constant 16 : i32
      %parallel_loop3A_67 = arith.addi %parallel_loop3A_59, %parallel_loop3A_66 : i32
      %parallel_loop3A_68 = arith.index_cast %parallel_loop3A_67 : i32 to index
      %parallel_loop3A_69 = tpu.vector_load %arg6[%parallel_loop3A_68] {strides = array<i32>} : memref<15616xi32, #tpu.memory_space<vmem>>, vector<16xi32>,
      %parallel_loop3A_70 = tpu.vector_load_idx %arg7[%parallel_loop3A_69] : memref<128xf32, #tpu.memory_space<vmem>>[vector<16xi32>], vector<16xf32>,
      %parallel_loop3A_71 = arith.addf %parallel_loop3A_51, %parallel_loop3A_70 : vector<16xf32>
      %parallel_loop3A_72 = arith.constant 32 : i32
      %parallel_loop3A_73 = arith.addi %parallel_loop3A_59, %parallel_loop3A_72 : i32
      %parallel_loop3A_74 = arith.index_cast %parallel_loop3A_73 : i32 to index
      %parallel_loop3A_75 = tpu.vector_load %arg6[%parallel_loop3A_74] {strides = array<i32>} : memref<15616xi32, #tpu.memory_space<vmem>>, vector<16xi32>,
      %parallel_loop3A_76 = tpu.vector_load_idx %arg7[%parallel_loop3A_75] : memref<128xf32, #tpu.memory_space<vmem>>[vector<16xi32>], vector<16xf32>,
      %parallel_loop3A_77 = arith.addf %parallel_loop3A_52, %parallel_loop3A_76 : vector<16xf32>
      %parallel_loop3A_78 = arith.constant 48 : i32
      %parallel_loop3A_79 = arith.addi %parallel_loop3A_59, %parallel_loop3A_78 : i32
      %parallel_loop3A_80 = arith.index_cast %parallel_loop3A_79 : i32 to index
      %parallel_loop3A_81 = tpu.vector_load %arg6[%parallel_loop3A_80] {strides = array<i32>} : memref<15616xi32, #tpu.memory_space<vmem>>, vector<16xi32>,
      %parallel_loop3A_82 = tpu.vector_load_idx %arg7[%parallel_loop3A_81] : memref<128xf32, #tpu.memory_space<vmem>>[vector<16xi32>], vector<16xf32>,
      %parallel_loop3A_83 = arith.addf %parallel_loop3A_53, %parallel_loop3A_82 : vector<16xf32>
      %parallel_loop3A_84 = arith.constant 64 : i32
      %parallel_loop3A_85 = arith.addi %parallel_loop3A_59, %parallel_loop3A_84 : i32
      %parallel_loop3A_86 = arith.index_cast %parallel_loop3A_85 : i32 to index
      %parallel_loop3A_87 = tpu.vector_load %arg6[%parallel_loop3A_86] {strides = array<i32>} : memref<15616xi32, #tpu.memory_space<vmem>>, vector<16xi32>,
      %parallel_loop3A_88 = tpu.vector_load_idx %arg7[%parallel_loop3A_87] : memref<128xf32, #tpu.memory_space<vmem>>[vector<16xi32>], vector<16xf32>,
      %parallel_loop3A_89 = arith.addf %parallel_loop3A_54, %parallel_loop3A_88 : vector<16xf32>
      %parallel_loop3A_90 = arith.constant 80 : i32
      %parallel_loop3A_91 = arith.addi %parallel_loop3A_59, %parallel_loop3A_90 : i32
      %parallel_loop3A_92 = arith.index_cast %parallel_loop3A_91 : i32 to index
      %parallel_loop3A_93 = tpu.vector_load %arg6[%parallel_loop3A_92] {strides = array<i32>} : memref<15616xi32, #tpu.memory_space<vmem>>, vector<16xi32>,
      %parallel_loop3A_94 = tpu.vector_load_idx %arg7[%parallel_loop3A_93] : memref<128xf32, #tpu.memory_space<vmem>>[vector<16xi32>], vector<16xf32>,
      %parallel_loop3A_95 = arith.addf %parallel_loop3A_55, %parallel_loop3A_94 : vector<16xf32>
      %parallel_loop3A_96 = arith.constant 96 : i32
      %parallel_loop3A_97 = arith.addi %parallel_loop3A_59, %parallel_loop3A_96 : i32
      %parallel_loop3A_98 = arith.index_cast %parallel_loop3A_97 : i32 to index
      %parallel_loop3A_99 = tpu.vector_load %arg6[%parallel_loop3A_98] {strides = array<i32>} : memref<15616xi32, #tpu.memory_space<vmem>>, vector<16xi32>,
      %parallel_loop3A_100 = tpu.vector_load_idx %arg7[%parallel_loop3A_99] : memref<128xf32, #tpu.memory_space<vmem>>[vector<16xi32>], vector<16xf32>,
      %parallel_loop3A_101 = arith.addf %parallel_loop3A_56, %parallel_loop3A_100 : vector<16xf32>
      %parallel_loop3A_102 = arith.constant 112 : i32
      %parallel_loop3A_103 = arith.addi %parallel_loop3A_59, %parallel_loop3A_102 : i32
      %parallel_loop3A_104 = arith.index_cast %parallel_loop3A_103 : i32 to index
      %parallel_loop3A_105 = tpu.vector_load %arg6[%parallel_loop3A_104] {strides = array<i32>} : memref<15616xi32, #tpu.memory_space<vmem>>, vector<16xi32>,
      %parallel_loop3A_106 = tpu.vector_load_idx %arg7[%parallel_loop3A_105] : memref<128xf32, #tpu.memory_space<vmem>>[vector<16xi32>], vector<16xf32>,
      %parallel_loop3A_107 = arith.addf %parallel_loop3A_57, %parallel_loop3A_106 : vector<16xf32>
      scf.yield %parallel_loop3A_65, %parallel_loop3A_71, %parallel_loop3A_77, %parallel_loop3A_83, %parallel_loop3A_89, %parallel_loop3A_95, %parallel_loop3A_101, %parallel_loop3A_107 : vector<16xf32>, vector<16xf32>, vector<16xf32>, vector<16xf32>, vector<16xf32>, vector<16xf32>, vector<16xf32>, vector<16xf32>
    } {sc.loop_unroll_factor = 1 : i64, sc.parallel_access}
    %add3A_39 = arith.addf %parallel_loop3A_38#0, %parallel_loop3A_38#1 : vector<16xf32>
    %add3A_40 = arith.addf %add3A_39, %parallel_loop3A_38#2 : vector<16xf32>
    %add3A_41 = arith.addf %add3A_40, %parallel_loop3A_38#3 : vector<16xf32>
    %add3A_42 = arith.addf %add3A_41, %parallel_loop3A_38#4 : vector<16xf32>
    %add3A_43 = arith.addf %add3A_42, %parallel_loop3A_38#5 : vector<16xf32>
    %add3A_44 = arith.addf %add3A_43, %parallel_loop3A_38#6 : vector<16xf32>
    %add3A_45 = arith.addf %add3A_44, %parallel_loop3A_38#7 : vector<16xf32>
    %swap3A = arith.constant 0 : index
    %swap3A_46 = tpu.vector_load %arg9[%swap3A] {strides = array<i32>} : memref<16xf32, #tpu.memory_space<vmem>>, vector<16xf32>,
    tpu.vector_store %arg9[%swap3A], %add3A_45 {strides = array<i32>} : memref<16xf32, #tpu.memory_space<vmem>>, vector<16xf32>,
    %lt3A = arith.constant 9 : i32
    %lt3A_47 = arith.cmpi slt, %add3A, %lt3A : i32
    %convert_element_type3A = arith.extui %lt3A_47 : i1 to i32
    %cond3A = arith.constant 0 : i32
    %cond3A_48 = arith.cmpi ne, %convert_element_type3A, %cond3A : i32
    scf.if %cond3A_48 {
      %mul3A_49 = arith.constant 128 : i32
      %mul3A_50 = arith.muli %add3A, %mul3A_49 : i32
      %add3A_51 = arith.constant 1998848 : i32
      %add3A_52 = arith.addi %add3A_51, %mul3A_50 : i32
      "tpu.region"() ({
        %run_scoped3A = tpu.sem_alloc : memref<!tpu.dma_semaphore, #tpu.memory_space<semaphore_mem>>
        %dma_start3A_87 = tpu.memref_slice %arg2[%add3A_52] : memref<2000000xi32, #tpu.memory_space<hbm>> -> memref<128xi32, #tpu.memory_space<hbm>>
        %dma_start3A_88 = tpu.memref_slice %arg2[%add3A_52] : memref<2000000xi32, #tpu.memory_space<hbm>> -> memref<128xi32, #tpu.memory_space<hbm>>
        tpu.enqueue_dma source(%dma_start3A_88 : memref<128xi32, #tpu.memory_space<hbm>>) target(%arg8 : memref<128xi32, #tpu.memory_space<vmem>>) target_semaphore(%run_scoped3A : memref<!tpu.dma_semaphore, #tpu.memory_space<semaphore_mem>>)
        %dma_wait3A_89 = tpu.memref_slice %arg2[%add3A_52] : memref<2000000xi32, #tpu.memory_space<hbm>> -> memref<128xi32, #tpu.memory_space<hbm>>
        %dma_wait3A_90 = tpu.memref_slice %arg2[%add3A_52] : memref<2000000xi32, #tpu.memory_space<hbm>> -> memref<128xi32, #tpu.memory_space<hbm>>
        tpu.wait_dma2 semaphore(%run_scoped3A : memref<!tpu.dma_semaphore, #tpu.memory_space<semaphore_mem>>) src(%dma_wait3A_90 : memref<128xi32, #tpu.memory_space<hbm>>) dst(%arg8 : memref<128xi32, #tpu.memory_space<vmem>>)
        tpu.yield
      }) : () -> ()
      %get3A = arith.constant 0 : index
      %get3A_53 = tpu.vector_load %arg9[%get3A] {strides = array<i32>} : memref<16xf32, #tpu.memory_space<vmem>>, vector<16xf32>,
      %get3A_54 = arith.constant 0 : index
      %get3A_55 = tpu.vector_load %arg8[%get3A_54] {strides = array<i32>} : memref<128xi32, #tpu.memory_space<vmem>>, vector<16xi32>,
      %gather3A = tpu.vector_load_idx %arg7[%get3A_55] : memref<128xf32, #tpu.memory_space<vmem>>[vector<16xi32>], vector<16xf32>,
      %add3A_56 = arith.addf %get3A_53, %gather3A : vector<16xf32>
      %get3A_57 = arith.constant 16 : index
      %get3A_58 = tpu.vector_load %arg8[%get3A_57] {strides = array<i32>} : memref<128xi32, #tpu.memory_space<vmem>>, vector<16xi32>,
      %gather3A_59 = tpu.vector_load_idx %arg7[%get3A_58] : memref<128xf32, #tpu.memory_space<vmem>>[vector<16xi32>], vector<16xf32>,
      %add3A_60 = arith.addf %add3A_56, %gather3A_59 : vector<16xf32>
      %get3A_61 = arith.constant 32 : index
      %get3A_62 = tpu.vector_load %arg8[%get3A_61] {strides = array<i32>} : memref<128xi32, #tpu.memory_space<vmem>>, vector<16xi32>,
      %gather3A_63 = tpu.vector_load_idx %arg7[%get3A_62] : memref<128xf32, #tpu.memory_space<vmem>>[vector<16xi32>], vector<16xf32>,
      %add3A_64 = arith.addf %add3A_60, %gather3A_63 : vector<16xf32>
      %get3A_65 = arith.constant 48 : index
      %get3A_66 = tpu.vector_load %arg8[%get3A_65] {strides = array<i32>} : memref<128xi32, #tpu.memory_space<vmem>>, vector<16xi32>,
      %gather3A_67 = tpu.vector_load_idx %arg7[%get3A_66] : memref<128xf32, #tpu.memory_space<vmem>>[vector<16xi32>], vector<16xf32>,
      %add3A_68 = arith.addf %add3A_64, %gather3A_67 : vector<16xf32>
      %get3A_69 = arith.constant 64 : index
      %get3A_70 = tpu.vector_load %arg8[%get3A_69] {strides = array<i32>} : memref<128xi32, #tpu.memory_space<vmem>>, vector<16xi32>,
      %gather3A_71 = tpu.vector_load_idx %arg7[%get3A_70] : memref<128xf32, #tpu.memory_space<vmem>>[vector<16xi32>], vector<16xf32>,
      %add3A_72 = arith.addf %add3A_68, %gather3A_71 : vector<16xf32>
      %get3A_73 = arith.constant 80 : index
      %get3A_74 = tpu.vector_load %arg8[%get3A_73] {strides = array<i32>} : memref<128xi32, #tpu.memory_space<vmem>>, vector<16xi32>,
      %gather3A_75 = tpu.vector_load_idx %arg7[%get3A_74] : memref<128xf32, #tpu.memory_space<vmem>>[vector<16xi32>], vector<16xf32>,
      %add3A_76 = arith.addf %add3A_72, %gather3A_75 : vector<16xf32>
      %get3A_77 = arith.constant 96 : index
      %get3A_78 = tpu.vector_load %arg8[%get3A_77] {strides = array<i32>} : memref<128xi32, #tpu.memory_space<vmem>>, vector<16xi32>,
      %gather3A_79 = tpu.vector_load_idx %arg7[%get3A_78] : memref<128xf32, #tpu.memory_space<vmem>>[vector<16xi32>], vector<16xf32>,
      %add3A_80 = arith.addf %add3A_76, %gather3A_79 : vector<16xf32>
      %get3A_81 = arith.constant 112 : index
      %get3A_82 = tpu.vector_load %arg8[%get3A_81] {strides = array<i32>} : memref<128xi32, #tpu.memory_space<vmem>>, vector<16xi32>,
      %gather3A_83 = tpu.vector_load_idx %arg7[%get3A_82] : memref<128xf32, #tpu.memory_space<vmem>>[vector<16xi32>], vector<16xf32>,
      %add3A_84 = arith.addf %add3A_80, %gather3A_83 : vector<16xf32>
      %swap3A_85 = arith.constant 0 : index
      %swap3A_86 = tpu.vector_load %arg9[%swap3A_85] {strides = array<i32>} : memref<16xf32, #tpu.memory_space<vmem>>, vector<16xf32>,
      tpu.vector_store %arg9[%swap3A_85], %add3A_84 {strides = array<i32>} : memref<16xf32, #tpu.memory_space<vmem>>, vector<16xf32>,
    } else {
    }
    "tpu.region"() ({
      %run_scoped3A = tpu.sem_alloc : memref<!tpu.dma_semaphore, #tpu.memory_space<semaphore_mem>>
      %dma_start3A_49 = arith.constant 0 : i32
      %dma_start3A_50 = tpu.memref_slice %arg4[%add3A, %dma_start3A_49] : memref<32x16xf32, #tpu.memory_space<hbm>> -> memref<1x16xf32, #tpu.memory_space<hbm>>
      %dma_start3A_51 = tpu.memref_squeeze %dma_start3A_50 : memref<1x16xf32, #tpu.memory_space<hbm>> -> memref<16xf32, #tpu.memory_space<hbm>>
      %dma_start3A_52 = arith.constant 0 : i32
      %dma_start3A_53 = tpu.memref_slice %arg4[%add3A, %dma_start3A_52] : memref<32x16xf32, #tpu.memory_space<hbm>> -> memref<1x16xf32, #tpu.memory_space<hbm>>
      %dma_start3A_54 = tpu.memref_squeeze %dma_start3A_53 : memref<1x16xf32, #tpu.memory_space<hbm>> -> memref<16xf32, #tpu.memory_space<hbm>>
      tpu.enqueue_dma source(%arg9 : memref<16xf32, #tpu.memory_space<vmem>>) target(%dma_start3A_54 : memref<16xf32, #tpu.memory_space<hbm>>) target_semaphore(%run_scoped3A : memref<!tpu.dma_semaphore, #tpu.memory_space<semaphore_mem>>)
      %dma_wait3A_55 = arith.constant 0 : i32
      %dma_wait3A_56 = tpu.memref_slice %arg4[%add3A, %dma_wait3A_55] : memref<32x16xf32, #tpu.memory_space<hbm>> -> memref<1x16xf32, #tpu.memory_space<hbm>>
      %dma_wait3A_57 = tpu.memref_squeeze %dma_wait3A_56 : memref<1x16xf32, #tpu.memory_space<hbm>> -> memref<16xf32, #tpu.memory_space<hbm>>
      %dma_wait3A_58 = arith.constant 0 : i32
      %dma_wait3A_59 = tpu.memref_slice %arg4[%add3A, %dma_wait3A_58] : memref<32x16xf32, #tpu.memory_space<hbm>> -> memref<1x16xf32, #tpu.memory_space<hbm>>
      %dma_wait3A_60 = tpu.memref_squeeze %dma_wait3A_59 : memref<1x16xf32, #tpu.memory_space<hbm>> -> memref<16xf32, #tpu.memory_space<hbm>>
      tpu.wait_dma2 semaphore(%run_scoped3A : memref<!tpu.dma_semaphore, #tpu.memory_space<semaphore_mem>>) src(%arg9 : memref<16xf32, #tpu.memory_space<vmem>>) dst(%dma_wait3A_60 : memref<16xf32, #tpu.memory_space<hbm>>)
      tpu.yield
    }) : () -> ()
    return
  }
}

</mosaic_0001>

<sc_bundles>
// kernel: kernel.3.cloned.1.call-start
scs
__scs_entry_jumppad:
0x0: {  	(pc) =	sbr.rel $0x88, $3  }
0x1: {  	(tag) =	ssettag $0x0;
	lr =	simm.s32 $0x1  }
0x2: {  	[smem:$0x3F9F] =	sst lr;
	_ =	strace $0xD0000000  }
0x3: {  	_ = 	snop  }
0x4: {  	_ = 	snop  }
0x5: {  	_ = 	snop  }
0x6: {  	_ = 	snop  }
0x7: {  	_ = 	snop  }
__scs_overlays_trampoline_lowered:
0x8: {  	[smem:$0x3FAE] =	sst s0  }
0x9: {  	[smem:$0x3FAF] =	sst s1  }
0xa: {  	[smem:$0x3FB0] =	sst s2  }
0xb: {  	[smem:$0x3FB1] =	sst s3  }
0xc: {  	[smem:$0x3FB2] =	sst s4  }
0xd: {  	[smem:$0x3FB3] =	sst s5  }
0xe: {  	[smem:$0x3FB4] =	sst s6  }
0xf: {  	[smem:$0x3FB5] =	sst s7  }
0x10: {  	[smem:$0x3FB6] =	sst s8  }
0x11: {  	[smem:$0x3FB7] =	sst s9;
	s0 =	simm.s32 @!p0 $0x0  }
0x12: {  	s1 =	sld [smem:$0x3F9D];
	s0 =	simm.s32 @p0 $0x1  }
0x13: {  	[smem:$0x3FB8] =	sst s0;
	s0 =	simm.s32 @!p1 $0x0  }
0x14: {  	s2 =	sld [smem:$0x3F9C];
	s0 =	simm.s32 @p1 $0x1  }
0x15: {  	[smem:$0x3FB9] =	sst s0;
	s0 =	simm.s32 @!p2 $0x0  }
0x16: {  	s3 =	sld [smem:$0x3FDB];
	s0 =	simm.s32 @p2 $0x1  }
0x17: {  	s4 =	simm.s32 $0x1BF5;
	[smem:$0x3FBB] =	sst s0  }
0x18: {  	s0 =	sld [smem:$0x3F9E];
	_ =	swait.ge [sflag:s4], $0x0  }
0x19: {  	s7 =	sld [smem:$0x3F9F]  }
0x1a: {  	s8 =	sadd.s32 $0xFFFFE003, lr  }
0x1b: {  	s9 =	sadd.s32 $0xFFFFFEF7, lr;
	s5 =	simm.s32 $0xFFFFFFFF;
	p2 =	slt.u32 s8, $0xFFFFF086  }
0x1c: {  	p1 =	slt.u32 s9, $0xF7A;
	s5 =	simm.s32 @!p2 $0x0  }
0x1d: {  	s5 =	simm.s32 @p1 $0x1;
	p0 =	seq.s32 s7, s2  }
0x1e: {  	s7 =	smul.u32 @!p0 $0xF7A, s2;
	p2 =	seq.s32 @!p0 s5, $0x0  }
0x1f: {  	s9 =	smul.u32 $0xF7A, s1;
	s8 =	simm.s32 @!p0 $0x1BF5;
	p2 =	por !p2, p0  }
0x20: {  	[sflag:s8] =	ssyncset.s32 @!p0 $0xFFFFF086;
	s6 =	sadd.s32 @!p0 s3, s7;
	s7 =	simm.s32 @!p0 $0x108  }
0x21: {  	s3 =	sadd.s32 s3, s9;
	s6 =	sadd.s32 @!p0 $0x88, s6;
	s7 =	simm.s32 @p2 $0x1082  }
0x22: {  	[simem:s7], [sflag:s8] =	dma.local @!p0 [hbm:s6], $0xF7A  }
0x23: {  	s9 =	sor.u32 $0xD0000000, s2;
	s6 =	simm.s32 $0x108;
	_ =	swait.ge @!p0 [sflag:s8], $0x0  }
0x24: {  	s3 =	sadd.s32 $0x88, s3;
	s6 =	simm.s32 @!p1 $0x1082;
	[sflag:s4] =	ssyncset.s32 $0xFFFFF086  }
0x25: {  	[simem:s6], [sflag:s4] =	dma.local [hbm:s3], $0xF7A  }
0x26: {  	[smem:$0x3F9F] =	sst s1;
	(tag) =	ssettag s2;
	_ =	strace s9  }
0x27: {  	s1 =	sld [smem:$0x3FAF]  }
0x28: {  	s2 =	sld [smem:$0x3FB0]  }
0x29: {  	s4 =	sld [smem:$0x3FB2]  }
0x2a: {  	p0 =	seq.s32 s5, $0x0;
	s5 =	sld [smem:$0x3FB3]  }
0x2b: {  	s6 =	sld [smem:$0x3FB4]  }
0x2c: {  	s7 =	sld [smem:$0x3FB5]  }
0x2d: {  	s3 =	simm.s32 $0x108;
	s8 =	sld [smem:$0x3FB6]  }
0x2e: {  	s3 =	simm.s32 @!p0 $0x1082;
	s9 =	sld [smem:$0x3FB7]  }
0x2f: {  	lr =	sadd.s32 s0, s3;
	s0 =	sld [smem:$0x3FAE]  }
0x30: {  	s3 =	sld [smem:$0x3FB1]  }
0x31: {  	[smem:$0x3FBA] =	sst s10  }
0x32: {  	s10 =	sld [smem:$0x3FB8];
	_ =	sdelay $0x3  }
0x33: {  	p0 =	seq.s32 s10, $0x1;
	s10 =	sld [smem:$0x3FBA];
	_ =	sdelay $0x3  }
0x34: {  	[smem:$0x3FBA] =	sst s10  }
0x35: {  	s10 =	sld [smem:$0x3FB9];
	_ =	sdelay $0x3  }
0x36: {  	p1 =	seq.s32 s10, $0x1;
	s10 =	sld [smem:$0x3FBA];
	_ =	sdelay $0x3  }
0x37: {  	[smem:$0x3FBA] =	sst s10  }
0x38: {  	s10 =	sld [smem:$0x3FBB]  }
0x39: {  	_ = 	snop;
	(pc) =	sbr.ind lr, $3  }
0x3a: {  	_ = 	snop  }
0x3b: {  	_ = 	snop  }
0x3c: {  	p2 =	seq.s32 s10, $0x1;
	s10 =	sld [smem:$0x3FBA]  }
0x3d: {  	_ =	shalt  }
0x3e: {  	_ =	shalt  }
0x3f: {  	_ =	shalt  }
0x40: {  	_ =	shalt  }
0x41: {  	_ =	shalt  }
0x42: {  	_ =	shalt  }
0x43: {  	_ =	shalt  }
0x44: {  	_ =	shalt  }
0x45: {  	_ =	shalt  }
0x46: {  	_ =	shalt  }
0x47: {  	_ =	shalt  }
0x48: {  	_ =	shalt  }
0x49: {  	_ =	shalt  }
0x4a: {  	_ =	shalt  }
0x4b: {  	_ =	shalt  }
0x4c: {  	_ =	shalt  }
0x4d: {  	_ =	shalt  }
0x4e: {  	_ =	shalt  }
0x4f: {  	_ =	shalt  }
0x50: {  	_ =	shalt  }
0x51: {  	_ =	shalt  }
0x52: {  	_ =	shalt  }
0x53: {  	_ =	shalt  }
0x54: {  	_ =	shalt  }
0x55: {  	_ =	shalt  }
0x56: {  	_ =	shalt  }
0x57: {  	_ =	shalt  }
0x58: {  	_ =	shalt  }
0x59: {  	_ =	shalt  }
0x5a: {  	_ =	shalt  }
0x5b: {  	_ =	shalt  }
0x5c: {  	_ =	shalt  }
0x5d: {  	_ =	shalt  }
0x5e: {  	_ =	shalt  }
0x5f: {  	_ =	shalt  }
0x60: {  	_ =	shalt  }
0x61: {  	_ =	shalt  }
0x62: {  	_ =	shalt  }
0x63: {  	_ =	shalt  }
0x64: {  	_ =	shalt  }
0x65: {  	_ =	shalt  }
0x66: {  	_ =	shalt  }
0x67: {  	_ =	shalt  }
0x68: {  	_ =	shalt  }
0x69: {  	_ =	shalt  }
0x6a: {  	_ =	shalt  }
0x6b: {  	_ =	shalt  }
0x6c: {  	_ =	shalt  }
0x6d: {  	_ =	shalt  }
0x6e: {  	_ =	shalt  }
0x6f: {  	_ =	shalt  }
0x70: {  	_ =	shalt  }
0x71: {  	_ =	shalt  }
0x72: {  	_ =	shalt  }
0x73: {  	_ =	shalt  }
0x74: {  	_ =	shalt  }
0x75: {  	_ =	shalt  }
0x76: {  	_ =	shalt  }
0x77: {  	_ =	shalt  }
0x78: {  	_ =	shalt  }
0x79: {  	_ =	shalt  }
0x7a: {  	_ =	shalt  }
0x7b: {  	_ =	shalt  }
0x7c: {  	_ =	shalt  }
0x7d: {  	_ =	shalt  }
0x7e: {  	_ =	shalt  }
0x7f: {  	_ =	shalt  }
0x80: {  	_ =	shalt  }
0x81: {  	_ =	shalt  }
0x82: {  	_ =	shalt  }
0x83: {  	_ =	shalt  }
0x84: {  	_ =	shalt  }
0x85: {  	_ =	shalt  }
0x86: {  	_ =	shalt  }
0x87: {  	_ =	shalt  }
.Lfunc_end0:
.L_simem_size_0:
called_computation_lowered:
.L_overlay_start_0:
0x88: {  	s2 =	sld [smem:$0x3FD9]  }
0x89: {  	s3 =	sld [smem:$0x3FFE];
	_ =	sdelay $0x1  }
0x8a: {  	s1 =	srdreg.scid  }
0x8b: {  	s0 =	sand.u32 $0x1, s1  }
0x8c: {  	s17 =	sshll.u32 s0, $0xA;
	s2 =	sadd.s32 s3, s2  }
0x8d: {  	s2 =	sadd.s32 s2, s17  }
0x8e: {  	[smem:$0x3FC6] =	sst s2  }
0x8f: {  	_ = 	snop  }
0x90: {  	s2 =	sld [smem:$0x3FC9]  }
0x91: {  	s18 =	sld [smem:$0x3FC8];
	(tm) =	ssettm $0x1  }
0x92: {  	s4 =	sld [smem:$0x3FFB];
	_ =	sdelay $0x3  }
0x93: {  	_ =	strace s4  }
0x94: {  	s4 =	sld [smem:$0x3FFC];
	_ =	sdelay $0x3  }
0x95: {  	_ =	strace s4  }
0x96: {  	s4 =	sld [smem:$0x3FFD];
	_ =	sdelay $0x3  }
0x97: {  	_ =	strace s4  }
0x98: {  	_ =	strace $0x8FFFFFFF  }
0x99: {  	s19 =	sld [smem:$0x3FDB];
	_ =	sdelay $0x1  }
0x9a: {  	s5 =	simm.s32 $_scs_section_size  }
0x9b: {  	s6 =	simm.s32 $_size__tile_overlayer_lowered;
	s7 =	simm.s32 $_tile_overlayer_lowered  }
0x9c: {  	s22 =	simm.s32 $0x1BFF;
	s21 =	sshll.u32 s7, $0x1;
	s4 =	sadd.s32 s5, s19  }
0x9d: {  	s8 =	simm.s32 $0x0;
	s20 =	sshll.u32 s6, $0x1;
	s6 =	sadd.s32 s21, s4  }
0x9e: {  	[timem:s8], [sflag:s22] =	dma.local [hbm:s6], s20  }
0x9f: {  	_ =	swait.ge [sflag:s22], s20  }
0xa0: {  	s5 =	ssub.s32 $0x0, s20;
	[sflag:s22] =	ssyncset.done $0x0  }
0xa1: {  	[sflag:s22] =	ssyncadd.s32 s5;
	_ =	sdelay $0x1  }
0xa2: {  	s23 =	simm.s32 $0x1B8B  }
0xa3: {  	_ =	swait.ge [sflag:s23], $0x1  }
0xa4: {  	[sflag:s23] =	ssyncset.done $0x0  }
0xa5: {  	s25 =	simm.s32 $0x1B8E;
	s24 =	sld [smem:$0x3FFE];
	[sflag:s23] =	ssyncadd.s32 $0xFFFFFFFF  }
0xa6: {  	s26 =	simm.s32 $execute0_lowered;
	[smem:$0x3FD2] =	sst s25  }
0xa7: {  	s6 =	sshll.u32 s26, $0x1;
	_ =	strace $0x80000046;
	[dreg:$0x1] =	wrdreg $0xFFFFFFFF  }
0xa8: {  	s28 =	simm.s32 $_size_execute0_lowered;
	s4 =	sadd.s32 s4, s6;
	[dreg:$0x0] =	wrdreg $0x0  }
0xa9: {  	s6 =	sshll.u32 s28, $0x1;
	[dreg:$0x2] =	wrdreg s4  }
0xaa: {  	[dreg:$0x3] =	wrdreg s6  }
0xab: {  	[dreg:$0x4] =	wrdreg $0xC0  }
0xac: {  	_ =	task [dreg:s8], $0x5FFFF  }
0xad: {  	[dreg:$0x1] =	wrdreg $0xFFFFFFFF  }
0xae: {  	[dreg:$0x0] =	wrdreg $0x60  }
0xaf: {  	[dreg:$0x2] =	wrdreg s2  }
0xb0: {  	[dreg:$0x3] =	wrdreg s18  }
0xb1: {  	[dreg:$0x4] =	wrdreg s24  }
0xb2: {  	[dreg:$0x5] =	wrdreg $0x9  }
0xb3: {  	_ =	task.clear_ibuf [dreg:s8], $0x6FFFF;
	_ =	strace $0x90000046  }
0xb4: {  	s29 =	simm.s32 $0x9;
	_ =	strace $0x80000048  }
0xb5: {  	_ =	swait.ge [sflag:s29], $0x1  }
0xb6: {  	[sflag:s29] =	ssyncadd.s32 $0xFFFFFFFF  }
0xb7: {  	_ =	strace $0x90000048  }
0xb8: {  	_ =	sfence  }
0xb9: {  	s30 =	sld [smem:$0x0];
	_ =	sdelay $0x2  }
0xba: {  	s31 =	sshll.u32 s1, $0xD;
	s1 =	sshrl.u32 s1, $0x2  }
0xbb: {  	s3 =	sand.u32 $0x4000, s31;
	s1 =	sadd.s32 s1, s30  }
0xbc: {  	s0 =	sor.u32 s3, s0;
	s1 =	sshll.u32 s1, $0x11  }
0xbd: {  	s0 =	sor.u32 s1, s0  }
0xbe: {  	s0 =	sadd.s32 $0x8F2B, s0  }
0xbf: {  	[sflag:s0] =	ssyncadd.remote.s32 $0x1  }
0xc0: {  	_ =	sfence.sel $0xFFFF  }
0xc1: {  	[dreg:$0x0] =	wrdreg $0xFFFFFFFF;
	(pc) =	sbr.abs _section_cstart, $3  }
0xc2: {  	[dreg:$0x1] =	wrdreg $0xFFFFFFFF  }
0xc3: {  	_ =	task.clear_ibuf [dreg:s8], $0x2FFFF;
	_ =	strace $0x9FFFFFFF  }
0xc4: {  	(tm) =	ssettm $0x7FFFFFFF  }
0xc5: {  	_ =	shalt  }
tec
execute0_lowered:
.L_overlay_start_1:
0x0: {  	(tag) =	ssettag $0x1  }
0x1: {  	s7 =	rddreg [dreg:$0x0];
	s1 =	srdreg.scid  }
0x2: {  	s0 =	stileid.u32;
	s2 =	rddreg [dreg:$0x1]  }
0x3: {  	s9 =	rddreg [dreg:$0x2];
	s3 =	simm.s32 $0x0;
	s12 =	simm.s32 $0x3  }
0x4: {  	s13 =	simm.s32 $0x3D00;
	s14 =	simm.s32 $0x1;
	s15 =	simm.s32 $0x2  }
0x5: {  	s4 =	sand.u32 $0x1, s1;
	s31 =	sshll.u32 s0, $0x1;
	s1 =	rddreg [dreg:$0x3]  }
0x6: {  	s17 =	simm.s32 $0x0;
	[smem:$0x7FF] =	sst s3;
	s16 =	sor.u32 s4, s31  }
0x7: {  	s4 =	ssub.s32 $0x2, s4;
	_ =	strace $0x80000047;
	s5 =	smul.u32 $0xF400, s16  }
0x8: {  	s6 =	sshrl.u32 s4, $0x1;
	s11 =	sshll.u32 s16, $0x4;
	p0 =	sgt.u32 s16, $0x8  }
0x9: {  	s16 =	simm.s32 $0x7B00;
	s10 =	ssub.s32 s4, s6;
	s8 =	sadd.s32 s11, s7  }
0xa: {  	s9 =	sadd.s32 s9, s11;
	s11 =	simm.s32 $0x7A00;
	s5 =	sshrl.u32 s5, $0x3  }
0xb: {  	s8 =	sadd.s32 $0x3D000, s8;
	s10 =	smax.u32 s10, $0x1;
	s4 =	sadd.s32 s7, s5  }
0xc: {  	s5 =	sadd.s32 $0x7A0, s4;
	s6 =	sadd.s32 $0xF40, s4;
	s7 =	sadd.s32 $0x16E0, s4  }
.LBB2_1:
0xd: {  	[tilespmem:s3], [sflag:$0x1] =	stream.linear.gather [hbm4b:s4+s3], $0x3D00, $0x38;
	[tilespmem:$0x7B80] =	vst v63  }
0xe: {  	_ = 	snop  }
0xf: {  	[tilespmem:s11], [sflag:$0x3] =	stream.linear.gather [hbm4b:s2+s3], $0x77, $0x38;
	[tilespmem:$0x7B80] =	vst v63  }
0x10: {  	_ =	swait.ge [sflag:s12], $0x77  }
0x11: {  	[sflag:s12] =	ssyncset.done $0x0  }
0x12: {  	[sflag:s12] =	ssyncadd.s32 $0xFFFFFF89  }
0x13: {  	[tilespmem:s13], [sflag:$0x2] =	stream.linear.gather [hbm4b:s5+s3], $0x3D00, $0x38;
	[tilespmem:$0x7B80] =	vst v63  }
0x14: {  	_ =	swait.ge [sflag:s14], $0x3D00  }
0x15: {  	[sflag:s14] =	ssyncset.done $0x0  }
0x16: {  	s18 =	simm.s32 $0x0;
	[sflag:s14] =	ssyncadd.s32 $0xFFFFC300  }
0x17: {  	v0 =	vld [tilespmem:s18+$0x70]  }
0x18: {  	v1 =	vld [tilespmem:s18+$0x0]  }
0x19: {  	v2 =	vld [tilespmem:s18+$0x10]  }
0x1a: {  	v3 =	vld [tilespmem:s18+$0x20]  }
0x1b: {  	v4 =	vld [tilespmem:s18+$0x30]  }
0x1c: {  	v5 =	vld [tilespmem:s18+$0x40]  }
0x1d: {  	v7 =	vld [tilespmem:s18+$0x60]  }
0x1e: {  	v6 =	vld [tilespmem:s18+$0x50]  }
0x1f: {  	v0 =	vld.idx.msk [tilespmem:v0+s11+$0x0], $0xffff  }
0x20: {  	v1 =	vld.idx.msk [tilespmem:v1+s11+$0x0], $0xffff  }
0x21: {  	v12 =	vld.idx.msk [tilespmem:v2+s11+$0x0], $0xffff  }
0x22: {  	v11 =	vld.idx.msk [tilespmem:v3+s11+$0x0], $0xffff  }
0x23: {  	v10 =	vld.idx.msk [tilespmem:v4+s11+$0x0], $0xffff  }
0x24: {  	v2 =	vimm.f32 $0.0e+00;
	v9 =	vld.idx.msk [tilespmem:v5+s11+$0x0], $0xffff;
	v4 =	vimm.f32 $0.0e+00  }
0x25: {  	v3 =	vimm.f32 $0.0e+00;
	v13 =	vld.idx.msk [tilespmem:v7+s11+$0x0], $0xffff;
	v7 =	vimm.f32 $0.0e+00;
	v5 =	vimm.f32 $0.0e+00  }
0x26: {  	s19 =	simm.s32 $0x80;
	s18 =	simm.s32 $0x400;
	v8 =	vld.idx.msk [tilespmem:v6+s11+$0x0], $0xffff;
	v6 =	vimm.f32 $0.0e+00;
	v0 =	vadd.f32 v0, v2;
	v1 =	vadd.f32 v1, v2  }
.LBB2_2:
0x27: {  	p1 =	sne.s32 s18, $0xF200;
	v14 =	vld [tilespmem:s19+$0x70];
	v2 =	vadd.f32 v12, v2  }
0x28: {  	v4 =	vadd.f32 v11, v4;
	v12 =	vld [tilespmem:s19+$0x0]  }
0x29: {  	v3 =	vadd.f32 v10, v3;
	v11 =	vld [tilespmem:s19+$0x10]  }
0x2a: {  	v7 =	vadd.f32 v9, v7;
	v10 =	vld [tilespmem:s19+$0x20]  }
0x2b: {  	v5 =	vadd.f32 v8, v5;
	v9 =	vld [tilespmem:s19+$0x30]  }
0x2c: {  	v6 =	vadd.f32 v13, v6;
	v8 =	vld [tilespmem:s19+$0x40]  }
0x2d: {  	v13 =	vld [tilespmem:s19+$0x50]  }
0x2e: {  	v15 =	vld [tilespmem:s19+$0x60]  }
0x2f: {  	v14 =	vld.idx.msk [tilespmem:v14+s11+$0x0], $0xffff  }
0x30: {  	v16 =	vld.idx.msk [tilespmem:v12+s11+$0x0], $0xffff  }
0x31: {  	v12 =	vld.idx.msk [tilespmem:v11+s11+$0x0], $0xffff  }
.Ltmp0:
0x32: {  	v11 =	vld.idx.msk [tilespmem:v10+s11+$0x0], $0xffff;
	(pc) =	sbr.rel @p1 .LBB2_2-.Ltmp0, $4  }
0x33: {  	v10 =	vld.idx.msk [tilespmem:v9+s11+$0x0], $0xffff  }
0x34: {  	v9 =	vld.idx.msk [tilespmem:v8+s11+$0x0], $0xffff  }
0x35: {  	v0 =	vadd.f32 v14, v0;
	v8 =	vld.idx.msk [tilespmem:v13+s11+$0x0], $0xffff  }
0x36: {  	s19 =	sshra.s32 s18, $0x2;
	s18 =	sadd.s32 $0x200, s18;
	v1 =	vadd.f32 v16, v1;
	v13 =	vld.idx.msk [tilespmem:v15+s11+$0x0], $0xffff  }
0x37: {  	v14 =	vld [tilespmem:s19+$0x70]  }
0x38: {  	v15 =	vld [tilespmem:s19+$0x0]  }
0x39: {  	v16 =	vld [tilespmem:s19+$0x10]  }
0x3a: {  	v17 =	vld [tilespmem:s19+$0x20]  }
0x3b: {  	v18 =	vld [tilespmem:s19+$0x30]  }
0x3c: {  	v19 =	vld [tilespmem:s19+$0x40]  }
0x3d: {  	v20 =	vld [tilespmem:s19+$0x50]  }
0x3e: {  	v21 =	vld [tilespmem:s19+$0x60]  }
0x3f: {  	v14 =	vld.idx.msk [tilespmem:v14+s11+$0x0], $0xffff  }
0x40: {  	v15 =	vld.idx.msk [tilespmem:v15+s11+$0x0], $0xffff  }
0x41: {  	v16 =	vld.idx.msk [tilespmem:v16+s11+$0x0], $0xffff  }
0x42: {  	v17 =	vld.idx.msk [tilespmem:v17+s11+$0x0], $0xffff  }
0x43: {  	v18 =	vld.idx.msk [tilespmem:v18+s11+$0x0], $0xffff  }
0x44: {  	v19 =	vld.idx.msk [tilespmem:v19+s11+$0x0], $0xffff  }
0x45: {  	s18 =	simm.s32 $0x0;
	v20 =	vld.idx.msk [tilespmem:v20+s11+$0x0], $0xffff  }
0x46: {  	v21 =	vld.idx.msk [tilespmem:v21+s11+$0x0], $0xffff;
	[tilespmem:s18], [sflag:$0x1] =	stream.linear.gather [hbm4b:s6+s18], $0x3D00, $0x38  }
0x47: {  	_ =	swait.ge [sflag:s15], $0x3D00  }
0x48: {  	[sflag:s15] =	ssyncset.done $0x0  }
0x49: {  	s31 =	simm.s32 $0x0;
	[sflag:s15] =	ssyncadd.s32 $0xFFFFC300  }
0x4a: {  	v22 =	vld [tilespmem:s31+$0x3D70]  }
0x4b: {  	v23 =	vld [tilespmem:s31+$0x3D00]  }
0x4c: {  	v24 =	vld [tilespmem:s31+$0x3D10]  }
0x4d: {  	v25 =	vld [tilespmem:s31+$0x3D20]  }
0x4e: {  	v26 =	vld [tilespmem:s31+$0x3D30]  }
0x4f: {  	v27 =	vld [tilespmem:s31+$0x3D40]  }
0x50: {  	v28 =	vld [tilespmem:s31+$0x3D50]  }
0x51: {  	v29 =	vld [tilespmem:s31+$0x3D60]  }
0x52: {  	v2 =	vadd.f32 v12, v2;
	v4 =	vadd.f32 v11, v4;
	v22 =	vld.idx.msk [tilespmem:v22+s11+$0x0], $0xffff  }
0x53: {  	v3 =	vadd.f32 v10, v3;
	v7 =	vadd.f32 v9, v7;
	v23 =	vld.idx.msk [tilespmem:v23+s11+$0x0], $0xffff  }
0x54: {  	v5 =	vadd.f32 v8, v5;
	v6 =	vadd.f32 v13, v6;
	v8 =	vld.idx.msk [tilespmem:v24+s11+$0x0], $0xffff  }
0x55: {  	v13 =	vadd.f32 v14, v0;
	v14 =	vadd.f32 v15, v1;
	v9 =	vld.idx.msk [tilespmem:v25+s11+$0x0], $0xffff  }
0x56: {  	v0 =	vadd.f32 v16, v2;
	v1 =	vadd.f32 v17, v4;
	v10 =	vld.idx.msk [tilespmem:v26+s11+$0x0], $0xffff  }
0x57: {  	v2 =	vadd.f32 v18, v3;
	v3 =	vadd.f32 v19, v7;
	v11 =	vld.idx.msk [tilespmem:v27+s11+$0x0], $0xffff  }
0x58: {  	v4 =	vadd.f32 v20, v5;
	v5 =	vadd.f32 v21, v6;
	v12 =	vld.idx.msk [tilespmem:v28+s11+$0x0], $0xffff  }
0x59: {  	s19 =	simm.s32 $0x80;
	s18 =	simm.s32 $0x400;
	v6 =	vadd.f32 v22, v13;
	v7 =	vadd.f32 v23, v14;
	v13 =	vld.idx.msk [tilespmem:v29+s11+$0x0], $0xffff  }
.LBB2_4:
0x5a: {  	p1 =	sne.s32 s18, $0xF200;
	v14 =	vld [tilespmem:s19+$0x3D70];
	v0 =	vadd.f32 v8, v0  }
0x5b: {  	v1 =	vadd.f32 v9, v1;
	v8 =	vld [tilespmem:s19+$0x3D00]  }
0x5c: {  	v2 =	vadd.f32 v10, v2;
	v9 =	vld [tilespmem:s19+$0x3D10]  }
0x5d: {  	v3 =	vadd.f32 v11, v3;
	v10 =	vld [tilespmem:s19+$0x3D20]  }
0x5e: {  	v4 =	vadd.f32 v12, v4;
	v11 =	vld [tilespmem:s19+$0x3D30]  }
0x5f: {  	v5 =	vadd.f32 v13, v5;
	v12 =	vld [tilespmem:s19+$0x3D40]  }
0x60: {  	v13 =	vld [tilespmem:s19+$0x3D50]  }
0x61: {  	v15 =	vld [tilespmem:s19+$0x3D60]  }
0x62: {  	v14 =	vld.idx.msk [tilespmem:v14+s11+$0x0], $0xffff  }
0x63: {  	v16 =	vld.idx.msk [tilespmem:v8+s11+$0x0], $0xffff  }
0x64: {  	v8 =	vld.idx.msk [tilespmem:v9+s11+$0x0], $0xffff  }
.Ltmp1:
0x65: {  	v9 =	vld.idx.msk [tilespmem:v10+s11+$0x0], $0xffff;
	(pc) =	sbr.rel @p1 .LBB2_4-.Ltmp1, $4  }
0x66: {  	v10 =	vld.idx.msk [tilespmem:v11+s11+$0x0], $0xffff  }
0x67: {  	v11 =	vld.idx.msk [tilespmem:v12+s11+$0x0], $0xffff  }
0x68: {  	v6 =	vadd.f32 v14, v6;
	v12 =	vld.idx.msk [tilespmem:v13+s11+$0x0], $0xffff  }
0x69: {  	s19 =	sshra.s32 s18, $0x2;
	s18 =	sadd.s32 $0x200, s18;
	v7 =	vadd.f32 v16, v7;
	v13 =	vld.idx.msk [tilespmem:v15+s11+$0x0], $0xffff  }
0x6a: {  	v14 =	vld [tilespmem:s19+$0x3D70]  }
0x6b: {  	v15 =	vld [tilespmem:s19+$0x3D00]  }
0x6c: {  	v16 =	vld [tilespmem:s19+$0x3D10]  }
0x6d: {  	v17 =	vld [tilespmem:s19+$0x3D20]  }
0x6e: {  	v18 =	vld [tilespmem:s19+$0x3D30]  }
0x6f: {  	v19 =	vld [tilespmem:s19+$0x3D40]  }
0x70: {  	v20 =	vld [tilespmem:s19+$0x3D50]  }
0x71: {  	v21 =	vld [tilespmem:s19+$0x3D60]  }
0x72: {  	v14 =	vld.idx.msk [tilespmem:v14+s11+$0x0], $0xffff  }
0x73: {  	v15 =	vld.idx.msk [tilespmem:v15+s11+$0x0], $0xffff  }
0x74: {  	v16 =	vld.idx.msk [tilespmem:v16+s11+$0x0], $0xffff  }
0x75: {  	v17 =	vld.idx.msk [tilespmem:v17+s11+$0x0], $0xffff  }
0x76: {  	v18 =	vld.idx.msk [tilespmem:v18+s11+$0x0], $0xffff  }
0x77: {  	v19 =	vld.idx.msk [tilespmem:v19+s11+$0x0], $0xffff  }
0x78: {  	s18 =	simm.s32 $0x0;
	v20 =	vld.idx.msk [tilespmem:v20+s11+$0x0], $0xffff  }
0x79: {  	v21 =	vld.idx.msk [tilespmem:v21+s11+$0x0], $0xffff;
	[tilespmem:s13], [sflag:$0x2] =	stream.linear.gather [hbm4b:s7+s18], $0x3D00, $0x38  }
0x7a: {  	_ =	swait.ge [sflag:s14], $0x3D00  }
0x7b: {  	[sflag:s14] =	ssyncset.done $0x0  }
0x7c: {  	s31 =	simm.s32 $0x0;
	[sflag:s14] =	ssyncadd.s32 $0xFFFFC300  }
0x7d: {  	v22 =	vld [tilespmem:s31+$0x70]  }
0x7e: {  	v23 =	vld [tilespmem:s31+$0x0]  }
0x7f: {  	v24 =	vld [tilespmem:s31+$0x10]  }
0x80: {  	v25 =	vld [tilespmem:s31+$0x20]  }
0x81: {  	v26 =	vld [tilespmem:s31+$0x30]  }
0x82: {  	v27 =	vld [tilespmem:s31+$0x40]  }
0x83: {  	v28 =	vld [tilespmem:s31+$0x50]  }
0x84: {  	v29 =	vld [tilespmem:s31+$0x60]  }
0x85: {  	v0 =	vadd.f32 v8, v0;
	v1 =	vadd.f32 v9, v1;
	v22 =	vld.idx.msk [tilespmem:v22+s11+$0x0], $0xffff  }
0x86: {  	v2 =	vadd.f32 v10, v2;
	v3 =	vadd.f32 v11, v3;
	v23 =	vld.idx.msk [tilespmem:v23+s11+$0x0], $0xffff  }
0x87: {  	v4 =	vadd.f32 v12, v4;
	v5 =	vadd.f32 v13, v5;
	v8 =	vld.idx.msk [tilespmem:v24+s11+$0x0], $0xffff  }
0x88: {  	v6 =	vadd.f32 v14, v6;
	v7 =	vadd.f32 v15, v7;
	v9 =	vld.idx.msk [tilespmem:v25+s11+$0x0], $0xffff  }
0x89: {  	v0 =	vadd.f32 v16, v0;
	v1 =	vadd.f32 v17, v1;
	v10 =	vld.idx.msk [tilespmem:v26+s11+$0x0], $0xffff  }
0x8a: {  	v2 =	vadd.f32 v18, v2;
	v3 =	vadd.f32 v19, v3;
	v11 =	vld.idx.msk [tilespmem:v27+s11+$0x0], $0xffff  }
0x8b: {  	v4 =	vadd.f32 v20, v4;
	v5 =	vadd.f32 v21, v5;
	v12 =	vld.idx.msk [tilespmem:v28+s11+$0x0], $0xffff  }
0x8c: {  	s19 =	simm.s32 $0x80;
	s18 =	simm.s32 $0x400;
	v13 =	vld.idx.msk [tilespmem:v29+s11+$0x0], $0xffff;
	v6 =	vadd.f32 v22, v6;
	v7 =	vadd.f32 v23, v7  }
.LBB2_6:
0x8d: {  	p1 =	sne.s32 s18, $0xF200;
	v14 =	vld [tilespmem:s19+$0x70];
	v0 =	vadd.f32 v8, v0  }
0x8e: {  	v1 =	vadd.f32 v9, v1;
	v8 =	vld [tilespmem:s19+$0x0]  }
0x8f: {  	v2 =	vadd.f32 v10, v2;
	v9 =	vld [tilespmem:s19+$0x10]  }
0x90: {  	v3 =	vadd.f32 v11, v3;
	v10 =	vld [tilespmem:s19+$0x20]  }
0x91: {  	v4 =	vadd.f32 v12, v4;
	v11 =	vld [tilespmem:s19+$0x30]  }
0x92: {  	v5 =	vadd.f32 v13, v5;
	v12 =	vld [tilespmem:s19+$0x40]  }
0x93: {  	v13 =	vld [tilespmem:s19+$0x50]  }
0x94: {  	v15 =	vld [tilespmem:s19+$0x60]  }
0x95: {  	v14 =	vld.idx.msk [tilespmem:v14+s11+$0x0], $0xffff  }
0x96: {  	v16 =	vld.idx.msk [tilespmem:v8+s11+$0x0], $0xffff  }
0x97: {  	v8 =	vld.idx.msk [tilespmem:v9+s11+$0x0], $0xffff  }
.Ltmp2:
0x98: {  	v9 =	vld.idx.msk [tilespmem:v10+s11+$0x0], $0xffff;
	(pc) =	sbr.rel @p1 .LBB2_6-.Ltmp2, $4  }
0x99: {  	v10 =	vld.idx.msk [tilespmem:v11+s11+$0x0], $0xffff  }
0x9a: {  	v11 =	vld.idx.msk [tilespmem:v12+s11+$0x0], $0xffff  }
0x9b: {  	v6 =	vadd.f32 v14, v6;
	v12 =	vld.idx.msk [tilespmem:v13+s11+$0x0], $0xffff  }
0x9c: {  	s19 =	sshra.s32 s18, $0x2;
	s18 =	sadd.s32 $0x200, s18;
	v7 =	vadd.f32 v16, v7;
	v13 =	vld.idx.msk [tilespmem:v15+s11+$0x0], $0xffff  }
0x9d: {  	v14 =	vld [tilespmem:s19+$0x70]  }
0x9e: {  	v15 =	vld [tilespmem:s19+$0x0]  }
0x9f: {  	v16 =	vld [tilespmem:s19+$0x10]  }
0xa0: {  	v17 =	vld [tilespmem:s19+$0x20]  }
0xa1: {  	v18 =	vld [tilespmem:s19+$0x30]  }
0xa2: {  	v19 =	vld [tilespmem:s19+$0x40]  }
0xa3: {  	v20 =	vld [tilespmem:s19+$0x50]  }
0xa4: {  	v21 =	vld [tilespmem:s19+$0x60]  }
0xa5: {  	v14 =	vld.idx.msk [tilespmem:v14+s11+$0x0], $0xffff  }
0xa6: {  	v15 =	vld.idx.msk [tilespmem:v15+s11+$0x0], $0xffff  }
0xa7: {  	v16 =	vld.idx.msk [tilespmem:v16+s11+$0x0], $0xffff  }
0xa8: {  	v17 =	vld.idx.msk [tilespmem:v17+s11+$0x0], $0xffff  }
0xa9: {  	v18 =	vld.idx.msk [tilespmem:v18+s11+$0x0], $0xffff  }
0xaa: {  	v19 =	vld.idx.msk [tilespmem:v19+s11+$0x0], $0xffff  }
0xab: {  	v20 =	vld.idx.msk [tilespmem:v20+s11+$0x0], $0xffff  }
0xac: {  	v21 =	vld.idx.msk [tilespmem:v21+s11+$0x0], $0xffff;
	_ =	swait.ge [sflag:s15], $0x3D00  }
0xad: {  	[sflag:s15] =	ssyncset.done $0x0  }
0xae: {  	s18 =	simm.s32 $0x0;
	[sflag:s15] =	ssyncadd.s32 $0xFFFFC300  }
0xaf: {  	v22 =	vld [tilespmem:s18+$0x3D70]  }
0xb0: {  	v23 =	vld [tilespmem:s18+$0x3D00]  }
0xb1: {  	v24 =	vld [tilespmem:s18+$0x3D10]  }
0xb2: {  	v25 =	vld [tilespmem:s18+$0x3D20]  }
0xb3: {  	v26 =	vld [tilespmem:s18+$0x3D30]  }
0xb4: {  	v27 =	vld [tilespmem:s18+$0x3D40]  }
0xb5: {  	v28 =	vld [tilespmem:s18+$0x3D50]  }
0xb6: {  	v29 =	vld [tilespmem:s18+$0x3D60]  }
0xb7: {  	v0 =	vadd.f32 v8, v0;
	v1 =	vadd.f32 v9, v1;
	v22 =	vld.idx.msk [tilespmem:v22+s11+$0x0], $0xffff  }
0xb8: {  	v2 =	vadd.f32 v10, v2;
	v3 =	vadd.f32 v11, v3;
	v11 =	vld.idx.msk [tilespmem:v23+s11+$0x0], $0xffff  }
0xb9: {  	v8 =	vadd.f32 v12, v4;
	v63 =	vadd.f32 v13, v5;
	v12 =	vld.idx.msk [tilespmem:v24+s11+$0x0], $0xffff  }
0xba: {  	v14 =	vadd.f32 v14, v6;
	v7 =	vadd.f32 v15, v7;
	v13 =	vld.idx.msk [tilespmem:v25+s11+$0x0], $0xffff  }
0xbb: {  	v6 =	vadd.f32 v16, v0;
	v5 =	vadd.f32 v17, v1;
	v10 =	vld.idx.msk [tilespmem:v26+s11+$0x0], $0xffff  }
0xbc: {  	v4 =	vadd.f32 v18, v2;
	v3 =	vadd.f32 v19, v3;
	v9 =	vld.idx.msk [tilespmem:v27+s11+$0x0], $0xffff  }
0xbd: {  	v2 =	vadd.f32 v20, v8;
	v1 =	vadd.f32 v21, v63;
	v8 =	vld.idx.msk [tilespmem:v28+s11+$0x0], $0xffff  }
0xbe: {  	s19 =	simm.s32 $0x80;
	s18 =	simm.s32 $0x400;
	v0 =	vadd.f32 v22, v14;
	v7 =	vadd.f32 v11, v7;
	v11 =	vld.idx.msk [tilespmem:v29+s11+$0x0], $0xffff  }
.LBB2_8:
0xbf: {  	p1 =	sne.s32 s18, $0xF200;
	v14 =	vld [tilespmem:s19+$0x3D70];
	v6 =	vadd.f32 v12, v6  }
0xc0: {  	v5 =	vadd.f32 v13, v5;
	v12 =	vld [tilespmem:s19+$0x3D00]  }
0xc1: {  	v4 =	vadd.f32 v10, v4;
	v13 =	vld [tilespmem:s19+$0x3D10]  }
0xc2: {  	v3 =	vadd.f32 v9, v3;
	v10 =	vld [tilespmem:s19+$0x3D20]  }
0xc3: {  	v2 =	vadd.f32 v8, v2;
	v9 =	vld [tilespmem:s19+$0x3D30]  }
0xc4: {  	v1 =	vadd.f32 v11, v1;
	v8 =	vld [tilespmem:s19+$0x3D40]  }
0xc5: {  	v11 =	vld [tilespmem:s19+$0x3D50]  }
0xc6: {  	v15 =	vld [tilespmem:s19+$0x3D60]  }
0xc7: {  	v14 =	vld.idx.msk [tilespmem:v14+s11+$0x0], $0xffff  }
0xc8: {  	v16 =	vld.idx.msk [tilespmem:v12+s11+$0x0], $0xffff  }
0xc9: {  	v12 =	vld.idx.msk [tilespmem:v13+s11+$0x0], $0xffff  }
.Ltmp3:
0xca: {  	v13 =	vld.idx.msk [tilespmem:v10+s11+$0x0], $0xffff;
	(pc) =	sbr.rel @p1 .LBB2_8-.Ltmp3, $4  }
0xcb: {  	v10 =	vld.idx.msk [tilespmem:v9+s11+$0x0], $0xffff  }
0xcc: {  	v9 =	vld.idx.msk [tilespmem:v8+s11+$0x0], $0xffff  }
0xcd: {  	v0 =	vadd.f32 v14, v0;
	v8 =	vld.idx.msk [tilespmem:v11+s11+$0x0], $0xffff  }
0xce: {  	s19 =	sshra.s32 s18, $0x2;
	s18 =	sadd.s32 $0x200, s18;
	v7 =	vadd.f32 v16, v7;
	v11 =	vld.idx.msk [tilespmem:v15+s11+$0x0], $0xffff  }
0xcf: {  	v14 =	vld [tilespmem:s19+$0x3D00]  }
0xd0: {  	v15 =	vld [tilespmem:s19+$0x3D10];
	_ =	sdelay $0x1  }
0xd1: {  	v16 =	vld [tilespmem:s19+$0x3D20];
	_ =	sdelay $0x1  }
0xd2: {  	v17 =	vld [tilespmem:s19+$0x3D30]  }
0xd3: {  	v18 =	vld [tilespmem:s19+$0x3D40]  }
0xd4: {  	v19 =	vld [tilespmem:s19+$0x3D50]  }
0xd5: {  	v14 =	vld.idx.msk [tilespmem:v14+s11+$0x0], $0xffff  }
0xd6: {  	v15 =	vld.idx.msk [tilespmem:v15+s11+$0x0], $0xffff  }
0xd7: {  	v20 =	vld [tilespmem:s19+$0x3D60]  }
0xd8: {  	v16 =	vld.idx.msk [tilespmem:v16+s11+$0x0], $0xffff  }
0xd9: {  	v6 =	vadd.f32 v12, v6;
	v58 =	vld [tilespmem:s19+$0x3D70]  }
0xda: {  	v5 =	vadd.f32 v13, v5;
	v59 =	vld.idx.msk [tilespmem:v17+s11+$0x0], $0xffff  }
0xdb: {  	v7 =	vadd.f32 v14, v7;
	v6 =	vadd.f32 v15, v6  }
0xdc: {  	v4 =	vadd.f32 v10, v4;
	v60 =	vld.idx.msk [tilespmem:v18+s11+$0x0], $0xffff  }
0xdd: {  	v5 =	vadd.f32 v16, v5;
	v6 =	vadd.f32 v6, v7  }
0xde: {  	v3 =	vadd.f32 v9, v3;
	v61 =	vld.idx.msk [tilespmem:v19+s11+$0x0], $0xffff  }
0xdf: {  	v4 =	vadd.f32 v59, v4;
	v5 =	vadd.f32 v5, v6  }
0xe0: {  	v2 =	vadd.f32 v8, v2;
	v62 =	vld.idx.msk [tilespmem:v20+s11+$0x0], $0xffff  }
0xe1: {  	v3 =	vadd.f32 v60, v3;
	v4 =	vadd.f32 v4, v5  }
0xe2: {  	v1 =	vadd.f32 v11, v1;
	v63 =	vld.idx.msk [tilespmem:v58+s11+$0x0], $0xffff  }
0xe3: {  	v2 =	vadd.f32 v61, v2;
	v3 =	vadd.f32 v3, v4;
	_ =	sdelay $0x1  }
0xe4: {  	v1 =	vadd.f32 v62, v1;
	v2 =	vadd.f32 v2, v3;
	_ =	sdelay $0x1  }
0xe5: {  	v0 =	vadd.f32 v63, v0;
	v1 =	vadd.f32 v1, v2;
	_ =	sdelay $0x1  }
0xe6: {  	v0 =	vadd.f32 v0, v1;
	_ =	sdelay $0x1  }
0xe7: {  	s18 =	simm.s32 @!p0 $0x0;
	s19 =	simm.s32 @!p0 $0x7A80;
	[tilespmem:$0x7B00] =	vst v0  }
0xe8: {  	[tilespmem:s19], [sflag:$0x3] =	stream.linear.gather @!p0 [hbm4b:s8+s18], $0x80, $0x38;
	[tilespmem:$0x7B80] =	vst v63  }
0xe9: {  	s18 =	simm.s32 @!p0 $0x3  }
0xea: {  	_ =	swait.ge @!p0 [sflag:s18], $0x80  }
0xeb: {  	[sflag:s18] =	ssyncset.done @!p0 $0x0  }
0xec: {  	[sflag:s18] =	ssyncadd.s32 @!p0 $0xFFFFFF80  }
0xed: {  	v0 =	vld @!p0 [tilespmem:$0x7A80];
	_ =	sdelay $0x1  }
0xee: {  	v1 =	vld @!p0 [tilespmem:$0x7A90];
	_ =	sdelay $0x1  }
0xef: {  	v2 =	vld @!p0 [tilespmem:$0x7AA0]  }
0xf0: {  	v3 =	vld @!p0 [tilespmem:$0x7AB0]  }
0xf1: {  	v4 =	vld @!p0 [tilespmem:$0x7B00]  }
0xf2: {  	s18 =	simm.s32 @!p0 $0x7A00;
	v5 =	vld @!p0 [tilespmem:$0x7AC0]  }
0xf3: {  	v0 =	vld.idx.msk @!p0 [tilespmem:v0+s18+$0x0], $0xffff  }
0xf4: {  	v6 =	vld @!p0 [tilespmem:$0x7AD0]  }
0xf5: {  	v1 =	vld.idx.msk @!p0 [tilespmem:v1+s18+$0x0], $0xffff  }
0xf6: {  	v7 =	vld @!p0 [tilespmem:$0x7AE0]  }
0xf7: {  	v2 =	vld.idx.msk @!p0 [tilespmem:v2+s18+$0x0], $0xffff  }
0xf8: {  	v3 =	vld.idx.msk @!p0 [tilespmem:v3+s18+$0x0], $0xffff;
	v0 =	vadd.f32 @!p0 v0, v4  }
0xf9: {  	v4 =	vld @!p0 [tilespmem:$0x7AF0]  }
0xfa: {  	v0 =	vadd.f32 @!p0 v1, v0  }
0xfb: {  	v1 =	vld.idx.msk @!p0 [tilespmem:v5+s18+$0x0], $0xffff  }
0xfc: {  	v0 =	vadd.f32 @!p0 v2, v0  }
0xfd: {  	v2 =	vld.idx.msk @!p0 [tilespmem:v6+s18+$0x0], $0xffff  }
0xfe: {  	v0 =	vadd.f32 @!p0 v3, v0  }
0xff: {  	v3 =	vld.idx.msk @!p0 [tilespmem:v7+s18+$0x0], $0xffff  }
0x100: {  	v0 =	vadd.f32 @!p0 v1, v0  }
0x101: {  	v1 =	vld.idx.msk @!p0 [tilespmem:v4+s18+$0x0], $0xffff  }
0x102: {  	v0 =	vadd.f32 @!p0 v2, v0;
	_ =	sdelay $0x1  }
0x103: {  	v0 =	vadd.f32 @!p0 v3, v0;
	_ =	sdelay $0x1  }
0x104: {  	s17 =	sadd.s32 $0x1, s17;
	v0 =	vadd.f32 @!p0 v1, v0  }
0x105: {  	p1 =	sne.s32 s17, s10  }
.Ltmp4:
0x106: {  	[tilespmem:$0x7B00] =	vst @!p0 v0;
	(pc) =	sbr.rel @p1 .LBB2_1-.Ltmp4, $4  }
0x107: {  	[hbm4b:s9+s3] =	stream.linear.scatter [tilespmem:s16], [sflag:$0x3], $0x80, $0x38;
	[tilespmem:$0x7B80] =	vst v63  }
0x108: {  	_ =	swait.ge [sflag:s12], $0x80  }
0x109: {  	[sflag:s12] =	ssyncset.done $0x0  }
0x10a: {  	[sflag:s12] =	ssyncadd.s32 $0xFFFFFF80  }
0x10b: {  	_ =	sfence.sel $0x180000  }
0x10c: {  	[bflag:$0x0] =	sbarrier.arrive $0xFFFF  }
0x10d: {  	p0 =	sne.s32 s0, $0x0;
	_ =	strace $0x90000047  }
0x10e: {  	s0 =	sadd.s32 @!p0 $0x100000, s1;
	[bflag:$0x2] =	sbarrier.arrive $0xFFFF  }
0x10f: {  	[sflag:s0] =	ssyncadd.tile.s32 @!p0 $0x1;
	_ =	shalt  }
.Lfunc_end2:
_tile_overlayer_lowered:
.L_overlay_start_2:
0x110: {  	(tag) =	ssettag $0x2  }
0x111: {  	s0 =	rddreg [dreg:$0x0];
	s2 =	stileid.u32  }
0x112: {  	s1 =	rddreg [dreg:$0x1];
	p0 =	sne.s32 s2, $0x0  }
0x113: {  	s3 =	rddreg [dreg:$0x2];
	[bflag:$0x3] =	sbarrier.arrive $0xFFFF;
	s2 =	simm.s32 @!p0 $0x1C03  }
0x114: {  	[timem:s3], [sflag:s2] =	dma.local @!p0 [hbm:s0], s1  }
0x115: {  	s0 =	simm.s32 @!p0 $0x3  }
0x116: {  	_ =	swait.ge @!p0 [sflag:s0], s1  }
0x117: {  	s1 =	ssub.s32 @!p0 $0x0, s1;
	[sflag:s0] =	ssyncset.done @!p0 $0x0  }
0x118: {  	[sflag:s0] =	ssyncadd.s32 @!p0 s1  }
0x119: {  	[bflag:$0x3] =	sbarrier.arrive $0xFFFF  }
0x11a: {  	_ =	shalt  }

</sc_bundles>
